<compile_context>
chip_gen: v7x
topology: tpu7x:2x2x1
jax: 0.10.2.dev20260603
libtpu: 0.0.44.dev20260713+nightly
codegen_flags: <defaults>
</compile_context>

<pallas_src>
import functools

import jax
import jax.numpy as jnp
from jax import lax
from jax.experimental import pallas as pl
from jax.experimental.pallas import tpu as pltpu
from jax.experimental.pallas import tpu_sc as plsc

_N_FIELDS = 26
_VOCAB = 100000
_EMB_DIM = 32
_BATCH = 16384
_N_NUM = 13
_BN_EPS = 1e-5

_NC = 2
_NS = 16
_NW = _NC * _NS

_OUT_D = _N_FIELDS * _EMB_DIM + _N_NUM

_STRIP_B = 1024
_SPF = _BATCH // _STRIP_B
_N_STRIPS = _N_FIELDS * _SPF
_SPW = _N_STRIPS // _NW
_CHUNK = 128
_CPS = _STRIP_B // _CHUNK
_LANES = 128
_ROWS_PER_F = _STRIP_B * _EMB_DIM // _LANES


def _sc_gather(tables_flat, idx):
    mesh = plsc.VectorSubcoreMesh(
        core_axis_name="c", subcore_axis_name="s",
        num_cores=_NC, num_subcores=_NS)

    @functools.partial(
        pl.kernel,
        out_type=jax.ShapeDtypeStruct((_N_STRIPS, _STRIP_B, _EMB_DIM),
                                      jnp.float32),
        mesh=mesh,
        scratch_types=[
            pltpu.VMEM((_SPW, _CPS, _CHUNK), jnp.int32),
            pltpu.VMEM((_STRIP_B, _EMB_DIM), jnp.float32),
            pltpu.VMEM((_STRIP_B, _EMB_DIM), jnp.float32),
            pltpu.SemaphoreType.DMA,
            pltpu.SemaphoreType.DMA,
        ],
        compiler_params=pltpu.CompilerParams(use_tc_tiling_on_sc=False),
    )
    def k(tbl_hbm, idx_hbm, out_hbm, idx_v, buf0, buf1, sem0, sem1):
        wid = lax.axis_index("c") * _NS + lax.axis_index("s")
        pltpu.sync_copy(idx_hbm.at[pl.ds(wid * _SPW, _SPW)], idx_v)

        bufs = (buf0, buf1)
        sems = (sem0, sem1)

        def fire(sl, p):
            for j in range(_CPS):
                pltpu.async_copy(
                    tbl_hbm.at[idx_v.at[sl, j]],
                    bufs[p].at[pl.ds(j * _CHUNK, _CHUNK)],
                    sems[p])

        def drain(sl, p):
            for j in range(_CPS):
                pltpu.make_async_copy(
                    tbl_hbm.at[idx_v.at[sl, j]],
                    bufs[p].at[pl.ds(j * _CHUNK, _CHUNK)],
                    sems[p]).wait()

        def wout(sl, p):
            pltpu.sync_copy(bufs[p], out_hbm.at[wid * _SPW + sl])

        fire(0, 0)

        def strip_pair(h, carry):
            s0 = 2 * h
            fire(s0 + 1, 1)
            drain(s0, 0)
            wout(s0, 0)
            fire(s0 + 2, 0)
            drain(s0 + 1, 1)
            wout(s0 + 1, 1)
            return carry

        lax.fori_loop(0, (_SPW - 1) // 2, strip_pair, 0)
        drain(_SPW - 1, 0)
        wout(_SPW - 1, 0)

    return k(tables_flat, idx)


def _bn_body(xt_ref, g_ref, b_ref, o_ref):
    x = xt_ref[...]
    mean = jnp.mean(x, axis=1, keepdims=True)
    xc = x - mean
    var = jnp.mean(xc * xc, axis=1, keepdims=True)
    o_ref[...] = xc * lax.rsqrt(var + _BN_EPS) * g_ref[...] + b_ref[...]


def _asm_body(y_ref, cont_ref, o_ref):
    for f in range(_N_FIELDS):
        yf = y_ref[pl.ds(f * _ROWS_PER_F, _ROWS_PER_F), :]
        t = jnp.transpose(yf, (1, 0))
        for q in range(_STRIP_B // _ROWS_PER_F):
            o_ref[pl.ds(f * _EMB_DIM, _EMB_DIM),
                  pl.ds(q * _ROWS_PER_F, _ROWS_PER_F)] = (
                t[q * _EMB_DIM:(q + 1) * _EMB_DIM, :])
    o_ref[pl.ds(_N_FIELDS * _EMB_DIM, _N_NUM), :] = cont_ref[...]


def _assemble(strips_flat, cont_t):
    return pl.pallas_call(
        _asm_body,
        grid=(_SPF,),
        in_specs=[
            pl.BlockSpec((None, _N_FIELDS * _ROWS_PER_F, _LANES),
                         lambda b: (b, 0, 0)),
            pl.BlockSpec((_N_NUM, _STRIP_B), lambda b: (0, b)),
        ],
        out_specs=pl.BlockSpec((_OUT_D, _STRIP_B), lambda b: (0, b)),
        out_shape=jax.ShapeDtypeStruct((_OUT_D, _BATCH), jnp.float32),
    )(strips_flat, cont_t)


def kernel(x_numerical, x_cat, tables, gamma, beta):
    idx = (x_cat.T.astype(jnp.int32)
           + jnp.arange(_N_FIELDS, dtype=jnp.int32)[:, None] * _VOCAB)
    idx = idx.reshape(_N_FIELDS, _SPF, 4, _ROWS_PER_F)
    idx = idx.transpose(1, 0, 3, 2)
    idx = idx.reshape(_N_STRIPS, _CPS, _CHUNK)
    tables_flat = tables.reshape(_N_FIELDS * _VOCAB, _EMB_DIM)

    cont_t = pl.pallas_call(
        _bn_body,
        out_shape=jax.ShapeDtypeStruct((_N_NUM, _BATCH), jnp.float32),
    )(x_numerical.T, gamma.reshape(_N_NUM, 1), beta.reshape(_N_NUM, 1))

    strips = _sc_gather(tables_flat, idx)
    strips_flat = strips.reshape(_SPF, _N_FIELDS * _ROWS_PER_F, _LANES)
    return _assemble(strips_flat, cont_t).T

# --- scband reference (transcript-rebuilt; emitter-appended) ---
"""Pipeline reference for scband-embedding-layer-42150809043327 (READ-ONLY COPY).

The authoritative reference and input builder live on the scoring server;
editing this copy changes nothing except your own understanding.
"""

import jax, jax.numpy as jnp
import numpy as np

N_FIELDS = 26
VOCAB = 100000
EMB_DIM = 32
BATCH = 16384
N_NUM = 13
BN_EPS = 1e-5


def setup_inputs(seed: int = 0) -> dict:
    key = jax.random.key(seed)
    k1, k2, k3 = jax.random.split(key, 3)
    x_numerical = jax.random.normal(k1, (BATCH, N_NUM), dtype=jnp.float32)
    x_cat = jax.random.randint(k2, (BATCH, N_FIELDS), 0, VOCAB, dtype=jnp.int64)
    # nn.Embedding default init: N(0, 1)
    tables = jax.random.normal(k3, (N_FIELDS, VOCAB, EMB_DIM), dtype=jnp.float32)
    gamma = jnp.ones((N_NUM,), dtype=jnp.float32)
    beta = jnp.zeros((N_NUM,), dtype=jnp.float32)
    return {"x_numerical": x_numerical, "x_cat": x_cat, "tables": tables, "gamma": gamma, "beta": beta}


def reference(x_numerical, x_cat, tables, gamma, beta):
    # per-field embedding lookup, then concat along feature dim
    embs = [jnp.take(tables[i], x_cat[:, i], axis=0) for i in range(N_FIELDS)]
    x = jnp.concatenate(embs, axis=1)
    # dropout p=0.0 -> identity
    # BatchNorm1d in training mode: normalize with batch statistics (biased var)
    mean = jnp.mean(x_numerical, axis=0)
    var = jnp.var(x_numerical, axis=0)
    x_cont = (x_numerical - mean) / jnp.sqrt(var + BN_EPS) * gamma + beta
    x = jnp.concatenate([x, x_cont], axis=1)
    return x

if __name__ == "__main__":
    import jax
    _d = setup_inputs()
    print(jax.jit(kernel)(*tuple(_d.values())))

</pallas_src>

<mosaic_0001>
#map = affine_map<(d0, d1) -> (0, 0)>
#map1 = affine_map<(d0, d1) -> (0, 0, 0)>
module attributes {stable_mosaic.version = 14 : i64} {
  func.func @k(%arg0: i32, %arg1: i32, %arg2: memref<2600000x32xf32, #tpu.memory_space<hbm>>, %arg3: memref<416x8x128xi32, #tpu.memory_space<hbm>>, %arg4: memref<416x1024x32xf32, #tpu.memory_space<hbm>>, %arg5: memref<13x8x128xi32, #tpu.memory_space<vmem>>, %arg6: memref<1024x32xf32, #tpu.memory_space<vmem>>, %arg7: memref<1024x32xf32, #tpu.memory_space<vmem>>, %arg8: memref<!tpu.dma_semaphore, #tpu.memory_space<semaphore_mem>>, %arg9: memref<!tpu.dma_semaphore, #tpu.memory_space<semaphore_mem>>) attributes {dimension_semantics = [#tpu.dimension_semantics<core_parallel>, #tpu.dimension_semantics<subcore_parallel>], iteration_bounds = array<i64: 2, 16>, scalar_prefetch = 0 : i64, scratch_operands = 5 : i64, tpu.core_type = #tpu.core_type<sc_vector_subcore>, window_params = [{transform_indices = #map}, {transform_indices = #map1}, {transform_indices = #map1}]} {
    %mul3A = arith.constant 16 : i32
    %mul3A_0 = arith.muli %arg0, %mul3A : i32
    %add3A = arith.addi %mul3A_0, %arg1 : i32
    %mul3A_1 = arith.constant 13 : i32
    %mul3A_2 = arith.muli %add3A, %mul3A_1 : i32
    "tpu.region"() ({
      %run_scoped3A = tpu.sem_alloc : memref<!tpu.dma_semaphore, #tpu.memory_space<semaphore_mem>>
      %dma_start3A_186 = arith.constant 0 : i32
      %dma_start3A_187 = arith.constant 0 : i32
      %dma_start3A_188 = tpu.memref_slice %arg3[%mul3A_2, %dma_start3A_186, %dma_start3A_187] : memref<416x8x128xi32, #tpu.memory_space<hbm>> -> memref<13x8x128xi32, #tpu.memory_space<hbm>>
      %dma_start3A_189 = arith.constant 0 : i32
      %dma_start3A_190 = arith.constant 0 : i32
      %dma_start3A_191 = tpu.memref_slice %arg3[%mul3A_2, %dma_start3A_189, %dma_start3A_190] : memref<416x8x128xi32, #tpu.memory_space<hbm>> -> memref<13x8x128xi32, #tpu.memory_space<hbm>>
      tpu.enqueue_dma source(%dma_start3A_191 : memref<13x8x128xi32, #tpu.memory_space<hbm>>) target(%arg5 : memref<13x8x128xi32, #tpu.memory_space<vmem>>) target_semaphore(%run_scoped3A : memref<!tpu.dma_semaphore, #tpu.memory_space<semaphore_mem>>)
      %dma_wait3A_192 = arith.constant 0 : i32
      %dma_wait3A_193 = arith.constant 0 : i32
      %dma_wait3A_194 = tpu.memref_slice %arg3[%mul3A_2, %dma_wait3A_192, %dma_wait3A_193] : memref<416x8x128xi32, #tpu.memory_space<hbm>> -> memref<13x8x128xi32, #tpu.memory_space<hbm>>
      %dma_wait3A_195 = arith.constant 0 : i32
      %dma_wait3A_196 = arith.constant 0 : i32
      %dma_wait3A_197 = tpu.memref_slice %arg3[%mul3A_2, %dma_wait3A_195, %dma_wait3A_196] : memref<416x8x128xi32, #tpu.memory_space<hbm>> -> memref<13x8x128xi32, #tpu.memory_space<hbm>>
      tpu.wait_dma2 semaphore(%run_scoped3A : memref<!tpu.dma_semaphore, #tpu.memory_space<semaphore_mem>>) src(%dma_wait3A_197 : memref<13x8x128xi32, #tpu.memory_space<hbm>>) dst(%arg5 : memref<13x8x128xi32, #tpu.memory_space<vmem>>)
      tpu.yield
    }) : () -> ()
    %dma_start3A = arith.constant 0 : i32
    %dma_start3A_3 = arith.constant 0 : i32
    %dma_start3A_4 = arith.constant 0 : i32
    %dma_start3A_5 = arith.constant 0 : i32
    %dma_start3A_6 = tpu.memref_slice %arg6[%dma_start3A_4, %dma_start3A_5] : memref<1024x32xf32, #tpu.memory_space<vmem>> -> memref<128x32xf32, #tpu.memory_space<vmem>>
    %dma_start3A_7 = arith.constant 0 : i32
    %dma_start3A_8 = tpu.memref_slice %arg5[%dma_start3A, %dma_start3A_3, %dma_start3A_7] : memref<13x8x128xi32, #tpu.memory_space<vmem>> -> memref<1x1x128xi32, #tpu.memory_space<vmem>>
    %dma_start3A_9 = tpu.memref_squeeze %dma_start3A_8 : memref<1x1x128xi32, #tpu.memory_space<vmem>> -> memref<128xi32, #tpu.memory_space<vmem>>
    %dma_start3A_10 = arith.constant 0 : i32
    %dma_start3A_11 = arith.constant 0 : i32
    %dma_start3A_12 = tpu.memref_slice %arg2[%dma_start3A_10, %dma_start3A_11] : memref<2600000x32xf32, #tpu.memory_space<hbm>> -> memref<2600000x32xf32, #tpu.memory_space<hbm>>
    tpu.enqueue_indirect_dma source(%dma_start3A_12 : memref<2600000x32xf32, #tpu.memory_space<hbm>>) target(%dma_start3A_6 : memref<128x32xf32, #tpu.memory_space<vmem>>) offsets(%dma_start3A_9 : memref<128xi32, #tpu.memory_space<vmem>>) semaphore(%arg8 : memref<!tpu.dma_semaphore, #tpu.memory_space<semaphore_mem>>)
    %dma_start3A_13 = arith.constant 0 : i32
    %dma_start3A_14 = arith.constant 1 : i32
    %dma_start3A_15 = arith.constant 128 : i32
    %dma_start3A_16 = arith.constant 0 : i32
    %dma_start3A_17 = tpu.memref_slice %arg6[%dma_start3A_15, %dma_start3A_16] : memref<1024x32xf32, #tpu.memory_space<vmem>> -> memref<128x32xf32, #tpu.memory_space<vmem>>
    %dma_start3A_18 = arith.constant 0 : i32
    %dma_start3A_19 = tpu.memref_slice %arg5[%dma_start3A_13, %dma_start3A_14, %dma_start3A_18] : memref<13x8x128xi32, #tpu.memory_space<vmem>> -> memref<1x1x128xi32, #tpu.memory_space<vmem>>
    %dma_start3A_20 = tpu.memref_squeeze %dma_start3A_19 : memref<1x1x128xi32, #tpu.memory_space<vmem>> -> memref<128xi32, #tpu.memory_space<vmem>>
    %dma_start3A_21 = arith.constant 0 : i32
    %dma_start3A_22 = arith.constant 0 : i32
    %dma_start3A_23 = tpu.memref_slice %arg2[%dma_start3A_21, %dma_start3A_22] : memref<2600000x32xf32, #tpu.memory_space<hbm>> -> memref<2600000x32xf32, #tpu.memory_space<hbm>>
    tpu.enqueue_indirect_dma source(%dma_start3A_23 : memref<2600000x32xf32, #tpu.memory_space<hbm>>) target(%dma_start3A_17 : memref<128x32xf32, #tpu.memory_space<vmem>>) offsets(%dma_start3A_20 : memref<128xi32, #tpu.memory_space<vmem>>) semaphore(%arg8 : memref<!tpu.dma_semaphore, #tpu.memory_space<semaphore_mem>>)
    %dma_start3A_24 = arith.constant 0 : i32
    %dma_start3A_25 = arith.constant 2 : i32
    %dma_start3A_26 = arith.constant 256 : i32
    %dma_start3A_27 = arith.constant 0 : i32
    %dma_start3A_28 = tpu.memref_slice %arg6[%dma_start3A_26, %dma_start3A_27] : memref<1024x32xf32, #tpu.memory_space<vmem>> -> memref<128x32xf32, #tpu.memory_space<vmem>>
    %dma_start3A_29 = arith.constant 0 : i32
    %dma_start3A_30 = tpu.memref_slice %arg5[%dma_start3A_24, %dma_start3A_25, %dma_start3A_29] : memref<13x8x128xi32, #tpu.memory_space<vmem>> -> memref<1x1x128xi32, #tpu.memory_space<vmem>>
    %dma_start3A_31 = tpu.memref_squeeze %dma_start3A_30 : memref<1x1x128xi32, #tpu.memory_space<vmem>> -> memref<128xi32, #tpu.memory_space<vmem>>
    %dma_start3A_32 = arith.constant 0 : i32
    %dma_start3A_33 = arith.constant 0 : i32
    %dma_start3A_34 = tpu.memref_slice %arg2[%dma_start3A_32, %dma_start3A_33] : memref<2600000x32xf32, #tpu.memory_space<hbm>> -> memref<2600000x32xf32, #tpu.memory_space<hbm>>
    tpu.enqueue_indirect_dma source(%dma_start3A_34 : memref<2600000x32xf32, #tpu.memory_space<hbm>>) target(%dma_start3A_28 : memref<128x32xf32, #tpu.memory_space<vmem>>) offsets(%dma_start3A_31 : memref<128xi32, #tpu.memory_space<vmem>>) semaphore(%arg8 : memref<!tpu.dma_semaphore, #tpu.memory_space<semaphore_mem>>)
    %dma_start3A_35 = arith.constant 0 : i32
    %dma_start3A_36 = arith.constant 3 : i32
    %dma_start3A_37 = arith.constant 384 : i32
    %dma_start3A_38 = arith.constant 0 : i32
    %dma_start3A_39 = tpu.memref_slice %arg6[%dma_start3A_37, %dma_start3A_38] : memref<1024x32xf32, #tpu.memory_space<vmem>> -> memref<128x32xf32, #tpu.memory_space<vmem>>
    %dma_start3A_40 = arith.constant 0 : i32
    %dma_start3A_41 = tpu.memref_slice %arg5[%dma_start3A_35, %dma_start3A_36, %dma_start3A_40] : memref<13x8x128xi32, #tpu.memory_space<vmem>> -> memref<1x1x128xi32, #tpu.memory_space<vmem>>
    %dma_start3A_42 = tpu.memref_squeeze %dma_start3A_41 : memref<1x1x128xi32, #tpu.memory_space<vmem>> -> memref<128xi32, #tpu.memory_space<vmem>>
    %dma_start3A_43 = arith.constant 0 : i32
    %dma_start3A_44 = arith.constant 0 : i32
    %dma_start3A_45 = tpu.memref_slice %arg2[%dma_start3A_43, %dma_start3A_44] : memref<2600000x32xf32, #tpu.memory_space<hbm>> -> memref<2600000x32xf32, #tpu.memory_space<hbm>>
    tpu.enqueue_indirect_dma source(%dma_start3A_45 : memref<2600000x32xf32, #tpu.memory_space<hbm>>) target(%dma_start3A_39 : memref<128x32xf32, #tpu.memory_space<vmem>>) offsets(%dma_start3A_42 : memref<128xi32, #tpu.memory_space<vmem>>) semaphore(%arg8 : memref<!tpu.dma_semaphore, #tpu.memory_space<semaphore_mem>>)
    %dma_start3A_46 = arith.constant 0 : i32
    %dma_start3A_47 = arith.constant 4 : i32
    %dma_start3A_48 = arith.constant 512 : i32
    %dma_start3A_49 = arith.constant 0 : i32
    %dma_start3A_50 = tpu.memref_slice %arg6[%dma_start3A_48, %dma_start3A_49] : memref<1024x32xf32, #tpu.memory_space<vmem>> -> memref<128x32xf32, #tpu.memory_space<vmem>>
    %dma_start3A_51 = arith.constant 0 : i32
    %dma_start3A_52 = tpu.memref_slice %arg5[%dma_start3A_46, %dma_start3A_47, %dma_start3A_51] : memref<13x8x128xi32, #tpu.memory_space<vmem>> -> memref<1x1x128xi32, #tpu.memory_space<vmem>>
    %dma_start3A_53 = tpu.memref_squeeze %dma_start3A_52 : memref<1x1x128xi32, #tpu.memory_space<vmem>> -> memref<128xi32, #tpu.memory_space<vmem>>
    %dma_start3A_54 = arith.constant 0 : i32
    %dma_start3A_55 = arith.constant 0 : i32
    %dma_start3A_56 = tpu.memref_slice %arg2[%dma_start3A_54, %dma_start3A_55] : memref<2600000x32xf32, #tpu.memory_space<hbm>> -> memref<2600000x32xf32, #tpu.memory_space<hbm>>
    tpu.enqueue_indirect_dma source(%dma_start3A_56 : memref<2600000x32xf32, #tpu.memory_space<hbm>>) target(%dma_start3A_50 : memref<128x32xf32, #tpu.memory_space<vmem>>) offsets(%dma_start3A_53 : memref<128xi32, #tpu.memory_space<vmem>>) semaphore(%arg8 : memref<!tpu.dma_semaphore, #tpu.memory_space<semaphore_mem>>)
    %dma_start3A_57 = arith.constant 0 : i32
    %dma_start3A_58 = arith.constant 5 : i32
    %dma_start3A_59 = arith.constant 640 : i32
    %dma_start3A_60 = arith.constant 0 : i32
    %dma_start3A_61 = tpu.memref_slice %arg6[%dma_start3A_59, %dma_start3A_60] : memref<1024x32xf32, #tpu.memory_space<vmem>> -> memref<128x32xf32, #tpu.memory_space<vmem>>
    %dma_start3A_62 = arith.constant 0 : i32
    %dma_start3A_63 = tpu.memref_slice %arg5[%dma_start3A_57, %dma_start3A_58, %dma_start3A_62] : memref<13x8x128xi32, #tpu.memory_space<vmem>> -> memref<1x1x128xi32, #tpu.memory_space<vmem>>
    %dma_start3A_64 = tpu.memref_squeeze %dma_start3A_63 : memref<1x1x128xi32, #tpu.memory_space<vmem>> -> memref<128xi32, #tpu.memory_space<vmem>>
    %dma_start3A_65 = arith.constant 0 : i32
    %dma_start3A_66 = arith.constant 0 : i32
    %dma_start3A_67 = tpu.memref_slice %arg2[%dma_start3A_65, %dma_start3A_66] : memref<2600000x32xf32, #tpu.memory_space<hbm>> -> memref<2600000x32xf32, #tpu.memory_space<hbm>>
    tpu.enqueue_indirect_dma source(%dma_start3A_67 : memref<2600000x32xf32, #tpu.memory_space<hbm>>) target(%dma_start3A_61 : memref<128x32xf32, #tpu.memory_space<vmem>>) offsets(%dma_start3A_64 : memref<128xi32, #tpu.memory_space<vmem>>) semaphore(%arg8 : memref<!tpu.dma_semaphore, #tpu.memory_space<semaphore_mem>>)
    %dma_start3A_68 = arith.constant 0 : i32
    %dma_start3A_69 = arith.constant 6 : i32
    %dma_start3A_70 = arith.constant 768 : i32
    %dma_start3A_71 = arith.constant 0 : i32
    %dma_start3A_72 = tpu.memref_slice %arg6[%dma_start3A_70, %dma_start3A_71] : memref<1024x32xf32, #tpu.memory_space<vmem>> -> memref<128x32xf32, #tpu.memory_space<vmem>>
    %dma_start3A_73 = arith.constant 0 : i32
    %dma_start3A_74 = tpu.memref_slice %arg5[%dma_start3A_68, %dma_start3A_69, %dma_start3A_73] : memref<13x8x128xi32, #tpu.memory_space<vmem>> -> memref<1x1x128xi32, #tpu.memory_space<vmem>>
    %dma_start3A_75 = tpu.memref_squeeze %dma_start3A_74 : memref<1x1x128xi32, #tpu.memory_space<vmem>> -> memref<128xi32, #tpu.memory_space<vmem>>
    %dma_start3A_76 = arith.constant 0 : i32
    %dma_start3A_77 = arith.constant 0 : i32
    %dma_start3A_78 = tpu.memref_slice %arg2[%dma_start3A_76, %dma_start3A_77] : memref<2600000x32xf32, #tpu.memory_space<hbm>> -> memref<2600000x32xf32, #tpu.memory_space<hbm>>
    tpu.enqueue_indirect_dma source(%dma_start3A_78 : memref<2600000x32xf32, #tpu.memory_space<hbm>>) target(%dma_start3A_72 : memref<128x32xf32, #tpu.memory_space<vmem>>) offsets(%dma_start3A_75 : memref<128xi32, #tpu.memory_space<vmem>>) semaphore(%arg8 : memref<!tpu.dma_semaphore, #tpu.memory_space<semaphore_mem>>)
    %dma_start3A_79 = arith.constant 0 : i32
    %dma_start3A_80 = arith.constant 7 : i32
    %dma_start3A_81 = arith.constant 896 : i32
    %dma_start3A_82 = arith.constant 0 : i32
    %dma_start3A_83 = tpu.memref_slice %arg6[%dma_start3A_81, %dma_start3A_82] : memref<1024x32xf32, #tpu.memory_space<vmem>> -> memref<128x32xf32, #tpu.memory_space<vmem>>
    %dma_start3A_84 = arith.constant 0 : i32
    %dma_start3A_85 = tpu.memref_slice %arg5[%dma_start3A_79, %dma_start3A_80, %dma_start3A_84] : memref<13x8x128xi32, #tpu.memory_space<vmem>> -> memref<1x1x128xi32, #tpu.memory_space<vmem>>
    %dma_start3A_86 = tpu.memref_squeeze %dma_start3A_85 : memref<1x1x128xi32, #tpu.memory_space<vmem>> -> memref<128xi32, #tpu.memory_space<vmem>>
    %dma_start3A_87 = arith.constant 0 : i32
    %dma_start3A_88 = arith.constant 0 : i32
    %dma_start3A_89 = tpu.memref_slice %arg2[%dma_start3A_87, %dma_start3A_88] : memref<2600000x32xf32, #tpu.memory_space<hbm>> -> memref<2600000x32xf32, #tpu.memory_space<hbm>>
    tpu.enqueue_indirect_dma source(%dma_start3A_89 : memref<2600000x32xf32, #tpu.memory_space<hbm>>) target(%dma_start3A_83 : memref<128x32xf32, #tpu.memory_space<vmem>>) offsets(%dma_start3A_86 : memref<128xi32, #tpu.memory_space<vmem>>) semaphore(%arg8 : memref<!tpu.dma_semaphore, #tpu.memory_space<semaphore_mem>>)
    %scan3A = arith.constant 0 : i32
    %scan3A_90 = arith.constant 0 : i32
    %scan3A_91 = arith.constant 6 : i32
    %scan3A_92 = arith.addi %scan3A_90, %scan3A_91 : i32
    %scan3A_93 = arith.constant 1 : i32
    scf.for %scan3A_186 = %scan3A_90 to %scan3A_92 step %scan3A_93  : i32 {
      %mul3A_187 = arith.constant 2 : i32
      %mul3A_188 = arith.muli %mul3A_187, %scan3A_186 : i32
      %add3A_189 = arith.constant 1 : i32
      %add3A_190 = arith.addi %mul3A_188, %add3A_189 : i32
      %dma_start3A_191 = arith.constant 0 : i32
      %dma_start3A_192 = arith.constant 0 : i32
      %dma_start3A_193 = arith.constant 0 : i32
      %dma_start3A_194 = tpu.memref_slice %arg7[%dma_start3A_192, %dma_start3A_193] : memref<1024x32xf32, #tpu.memory_space<vmem>> -> memref<128x32xf32, #tpu.memory_space<vmem>>
      %dma_start3A_195 = arith.constant 0 : i32
      %dma_start3A_196 = tpu.memref_slice %arg5[%add3A_190, %dma_start3A_191, %dma_start3A_195] : memref<13x8x128xi32, #tpu.memory_space<vmem>> -> memref<1x1x128xi32, #tpu.memory_space<vmem>>
      %dma_start3A_197 = tpu.memref_squeeze %dma_start3A_196 : memref<1x1x128xi32, #tpu.memory_space<vmem>> -> memref<128xi32, #tpu.memory_space<vmem>>
      %dma_start3A_198 = arith.constant 0 : i32
      %dma_start3A_199 = arith.constant 0 : i32
      %dma_start3A_200 = tpu.memref_slice %arg2[%dma_start3A_198, %dma_start3A_199] : memref<2600000x32xf32, #tpu.memory_space<hbm>> -> memref<2600000x32xf32, #tpu.memory_space<hbm>>
      tpu.enqueue_indirect_dma source(%dma_start3A_200 : memref<2600000x32xf32, #tpu.memory_space<hbm>>) target(%dma_start3A_194 : memref<128x32xf32, #tpu.memory_space<vmem>>) offsets(%dma_start3A_197 : memref<128xi32, #tpu.memory_space<vmem>>) semaphore(%arg9 : memref<!tpu.dma_semaphore, #tpu.memory_space<semaphore_mem>>)
      %dma_start3A_201 = arith.constant 1 : i32
      %dma_start3A_202 = arith.constant 128 : i32
      %dma_start3A_203 = arith.constant 0 : i32
      %dma_start3A_204 = tpu.memref_slice %arg7[%dma_start3A_202, %dma_start3A_203] : memref<1024x32xf32, #tpu.memory_space<vmem>> -> memref<128x32xf32, #tpu.memory_space<vmem>>
      %dma_start3A_205 = arith.constant 0 : i32
      %dma_start3A_206 = tpu.memref_slice %arg5[%add3A_190, %dma_start3A_201, %dma_start3A_205] : memref<13x8x128xi32, #tpu.memory_space<vmem>> -> memref<1x1x128xi32, #tpu.memory_space<vmem>>
      %dma_start3A_207 = tpu.memref_squeeze %dma_start3A_206 : memref<1x1x128xi32, #tpu.memory_space<vmem>> -> memref<128xi32, #tpu.memory_space<vmem>>
      %dma_start3A_208 = arith.constant 0 : i32
      %dma_start3A_209 = arith.constant 0 : i32
      %dma_start3A_210 = tpu.memref_slice %arg2[%dma_start3A_208, %dma_start3A_209] : memref<2600000x32xf32, #tpu.memory_space<hbm>> -> memref<2600000x32xf32, #tpu.memory_space<hbm>>
      tpu.enqueue_indirect_dma source(%dma_start3A_210 : memref<2600000x32xf32, #tpu.memory_space<hbm>>) target(%dma_start3A_204 : memref<128x32xf32, #tpu.memory_space<vmem>>) offsets(%dma_start3A_207 : memref<128xi32, #tpu.memory_space<vmem>>) semaphore(%arg9 : memref<!tpu.dma_semaphore, #tpu.memory_space<semaphore_mem>>)
      %dma_start3A_211 = arith.constant 2 : i32
      %dma_start3A_212 = arith.constant 256 : i32
      %dma_start3A_213 = arith.constant 0 : i32
      %dma_start3A_214 = tpu.memref_slice %arg7[%dma_start3A_212, %dma_start3A_213] : memref<1024x32xf32, #tpu.memory_space<vmem>> -> memref<128x32xf32, #tpu.memory_space<vmem>>
      %dma_start3A_215 = arith.constant 0 : i32
      %dma_start3A_216 = tpu.memref_slice %arg5[%add3A_190, %dma_start3A_211, %dma_start3A_215] : memref<13x8x128xi32, #tpu.memory_space<vmem>> -> memref<1x1x128xi32, #tpu.memory_space<vmem>>
      %dma_start3A_217 = tpu.memref_squeeze %dma_start3A_216 : memref<1x1x128xi32, #tpu.memory_space<vmem>> -> memref<128xi32, #tpu.memory_space<vmem>>
      %dma_start3A_218 = arith.constant 0 : i32
      %dma_start3A_219 = arith.constant 0 : i32
      %dma_start3A_220 = tpu.memref_slice %arg2[%dma_start3A_218, %dma_start3A_219] : memref<2600000x32xf32, #tpu.memory_space<hbm>> -> memref<2600000x32xf32, #tpu.memory_space<hbm>>
      tpu.enqueue_indirect_dma source(%dma_start3A_220 : memref<2600000x32xf32, #tpu.memory_space<hbm>>) target(%dma_start3A_214 : memref<128x32xf32, #tpu.memory_space<vmem>>) offsets(%dma_start3A_217 : memref<128xi32, #tpu.memory_space<vmem>>) semaphore(%arg9 : memref<!tpu.dma_semaphore, #tpu.memory_space<semaphore_mem>>)
      %dma_start3A_221 = arith.constant 3 : i32
      %dma_start3A_222 = arith.constant 384 : i32
      %dma_start3A_223 = arith.constant 0 : i32
      %dma_start3A_224 = tpu.memref_slice %arg7[%dma_start3A_222, %dma_start3A_223] : memref<1024x32xf32, #tpu.memory_space<vmem>> -> memref<128x32xf32, #tpu.memory_space<vmem>>
      %dma_start3A_225 = arith.constant 0 : i32
      %dma_start3A_226 = tpu.memref_slice %arg5[%add3A_190, %dma_start3A_221, %dma_start3A_225] : memref<13x8x128xi32, #tpu.memory_space<vmem>> -> memref<1x1x128xi32, #tpu.memory_space<vmem>>
      %dma_start3A_227 = tpu.memref_squeeze %dma_start3A_226 : memref<1x1x128xi32, #tpu.memory_space<vmem>> -> memref<128xi32, #tpu.memory_space<vmem>>
      %dma_start3A_228 = arith.constant 0 : i32
      %dma_start3A_229 = arith.constant 0 : i32
      %dma_start3A_230 = tpu.memref_slice %arg2[%dma_start3A_228, %dma_start3A_229] : memref<2600000x32xf32, #tpu.memory_space<hbm>> -> memref<2600000x32xf32, #tpu.memory_space<hbm>>
      tpu.enqueue_indirect_dma source(%dma_start3A_230 : memref<2600000x32xf32, #tpu.memory_space<hbm>>) target(%dma_start3A_224 : memref<128x32xf32, #tpu.memory_space<vmem>>) offsets(%dma_start3A_227 : memref<128xi32, #tpu.memory_space<vmem>>) semaphore(%arg9 : memref<!tpu.dma_semaphore, #tpu.memory_space<semaphore_mem>>)
      %dma_start3A_231 = arith.constant 4 : i32
      %dma_start3A_232 = arith.constant 512 : i32
      %dma_start3A_233 = arith.constant 0 : i32
      %dma_start3A_234 = tpu.memref_slice %arg7[%dma_start3A_232, %dma_start3A_233] : memref<1024x32xf32, #tpu.memory_space<vmem>> -> memref<128x32xf32, #tpu.memory_space<vmem>>
      %dma_start3A_235 = arith.constant 0 : i32
      %dma_start3A_236 = tpu.memref_slice %arg5[%add3A_190, %dma_start3A_231, %dma_start3A_235] : memref<13x8x128xi32, #tpu.memory_space<vmem>> -> memref<1x1x128xi32, #tpu.memory_space<vmem>>
      %dma_start3A_237 = tpu.memref_squeeze %dma_start3A_236 : memref<1x1x128xi32, #tpu.memory_space<vmem>> -> memref<128xi32, #tpu.memory_space<vmem>>
      %dma_start3A_238 = arith.constant 0 : i32
      %dma_start3A_239 = arith.constant 0 : i32
      %dma_start3A_240 = tpu.memref_slice %arg2[%dma_start3A_238, %dma_start3A_239] : memref<2600000x32xf32, #tpu.memory_space<hbm>> -> memref<2600000x32xf32, #tpu.memory_space<hbm>>
      tpu.enqueue_indirect_dma source(%dma_start3A_240 : memref<2600000x32xf32, #tpu.memory_space<hbm>>) target(%dma_start3A_234 : memref<128x32xf32, #tpu.memory_space<vmem>>) offsets(%dma_start3A_237 : memref<128xi32, #tpu.memory_space<vmem>>) semaphore(%arg9 : memref<!tpu.dma_semaphore, #tpu.memory_space<semaphore_mem>>)
      %dma_start3A_241 = arith.constant 5 : i32
      %dma_start3A_242 = arith.constant 640 : i32
      %dma_start3A_243 = arith.constant 0 : i32
      %dma_start3A_244 = tpu.memref_slice %arg7[%dma_start3A_242, %dma_start3A_243] : memref<1024x32xf32, #tpu.memory_space<vmem>> -> memref<128x32xf32, #tpu.memory_space<vmem>>
      %dma_start3A_245 = arith.constant 0 : i32
      %dma_start3A_246 = tpu.memref_slice %arg5[%add3A_190, %dma_start3A_241, %dma_start3A_245] : memref<13x8x128xi32, #tpu.memory_space<vmem>> -> memref<1x1x128xi32, #tpu.memory_space<vmem>>
      %dma_start3A_247 = tpu.memref_squeeze %dma_start3A_246 : memref<1x1x128xi32, #tpu.memory_space<vmem>> -> memref<128xi32, #tpu.memory_space<vmem>>
      %dma_start3A_248 = arith.constant 0 : i32
      %dma_start3A_249 = arith.constant 0 : i32
      %dma_start3A_250 = tpu.memref_slice %arg2[%dma_start3A_248, %dma_start3A_249] : memref<2600000x32xf32, #tpu.memory_space<hbm>> -> memref<2600000x32xf32, #tpu.memory_space<hbm>>
      tpu.enqueue_indirect_dma source(%dma_start3A_250 : memref<2600000x32xf32, #tpu.memory_space<hbm>>) target(%dma_start3A_244 : memref<128x32xf32, #tpu.memory_space<vmem>>) offsets(%dma_start3A_247 : memref<128xi32, #tpu.memory_space<vmem>>) semaphore(%arg9 : memref<!tpu.dma_semaphore, #tpu.memory_space<semaphore_mem>>)
      %dma_start3A_251 = arith.constant 6 : i32
      %dma_start3A_252 = arith.constant 768 : i32
      %dma_start3A_253 = arith.constant 0 : i32
      %dma_start3A_254 = tpu.memref_slice %arg7[%dma_start3A_252, %dma_start3A_253] : memref<1024x32xf32, #tpu.memory_space<vmem>> -> memref<128x32xf32, #tpu.memory_space<vmem>>
      %dma_start3A_255 = arith.constant 0 : i32
      %dma_start3A_256 = tpu.memref_slice %arg5[%add3A_190, %dma_start3A_251, %dma_start3A_255] : memref<13x8x128xi32, #tpu.memory_space<vmem>> -> memref<1x1x128xi32, #tpu.memory_space<vmem>>
      %dma_start3A_257 = tpu.memref_squeeze %dma_start3A_256 : memref<1x1x128xi32, #tpu.memory_space<vmem>> -> memref<128xi32, #tpu.memory_space<vmem>>
      %dma_start3A_258 = arith.constant 0 : i32
      %dma_start3A_259 = arith.constant 0 : i32
      %dma_start3A_260 = tpu.memref_slice %arg2[%dma_start3A_258, %dma_start3A_259] : memref<2600000x32xf32, #tpu.memory_space<hbm>> -> memref<2600000x32xf32, #tpu.memory_space<hbm>>
      tpu.enqueue_indirect_dma source(%dma_start3A_260 : memref<2600000x32xf32, #tpu.memory_space<hbm>>) target(%dma_start3A_254 : memref<128x32xf32, #tpu.memory_space<vmem>>) offsets(%dma_start3A_257 : memref<128xi32, #tpu.memory_space<vmem>>) semaphore(%arg9 : memref<!tpu.dma_semaphore, #tpu.memory_space<semaphore_mem>>)
      %dma_start3A_261 = arith.constant 7 : i32
      %dma_start3A_262 = arith.constant 896 : i32
      %dma_start3A_263 = arith.constant 0 : i32
      %dma_start3A_264 = tpu.memref_slice %arg7[%dma_start3A_262, %dma_start3A_263] : memref<1024x32xf32, #tpu.memory_space<vmem>> -> memref<128x32xf32, #tpu.memory_space<vmem>>
      %dma_start3A_265 = arith.constant 0 : i32
      %dma_start3A_266 = tpu.memref_slice %arg5[%add3A_190, %dma_start3A_261, %dma_start3A_265] : memref<13x8x128xi32, #tpu.memory_space<vmem>> -> memref<1x1x128xi32, #tpu.memory_space<vmem>>
      %dma_start3A_267 = tpu.memref_squeeze %dma_start3A_266 : memref<1x1x128xi32, #tpu.memory_space<vmem>> -> memref<128xi32, #tpu.memory_space<vmem>>
      %dma_start3A_268 = arith.constant 0 : i32
      %dma_start3A_269 = arith.constant 0 : i32
      %dma_start3A_270 = tpu.memref_slice %arg2[%dma_start3A_268, %dma_start3A_269] : memref<2600000x32xf32, #tpu.memory_space<hbm>> -> memref<2600000x32xf32, #tpu.memory_space<hbm>>
      tpu.enqueue_indirect_dma source(%dma_start3A_270 : memref<2600000x32xf32, #tpu.memory_space<hbm>>) target(%dma_start3A_264 : memref<128x32xf32, #tpu.memory_space<vmem>>) offsets(%dma_start3A_267 : memref<128xi32, #tpu.memory_space<vmem>>) semaphore(%arg9 : memref<!tpu.dma_semaphore, #tpu.memory_space<semaphore_mem>>)
      %dma_wait3A_271 = arith.constant 0 : i32
      %dma_wait3A_272 = arith.constant 0 : i32
      %dma_wait3A_273 = arith.constant 0 : i32
      %dma_wait3A_274 = tpu.memref_slice %arg6[%dma_wait3A_272, %dma_wait3A_273] : memref<1024x32xf32, #tpu.memory_space<vmem>> -> memref<128x32xf32, #tpu.memory_space<vmem>>
      %dma_wait3A_275 = arith.constant 0 : i32
      %dma_wait3A_276 = tpu.memref_slice %arg5[%mul3A_188, %dma_wait3A_271, %dma_wait3A_275] : memref<13x8x128xi32, #tpu.memory_space<vmem>> -> memref<1x1x128xi32, #tpu.memory_space<vmem>>
      %dma_wait3A_277 = tpu.memref_squeeze %dma_wait3A_276 : memref<1x1x128xi32, #tpu.memory_space<vmem>> -> memref<128xi32, #tpu.memory_space<vmem>>
      %dma_wait3A_278 = arith.constant 0 : i32
      %dma_wait3A_279 = arith.constant 0 : i32
      %dma_wait3A_280 = tpu.memref_slice %arg2[%dma_wait3A_278, %dma_wait3A_279] : memref<2600000x32xf32, #tpu.memory_space<hbm>> -> memref<2600000x32xf32, #tpu.memory_space<hbm>>
      tpu.wait_indirect_dma semaphore(%arg8 : memref<!tpu.dma_semaphore, #tpu.memory_space<semaphore_mem>>) src(%dma_wait3A_280 : memref<2600000x32xf32, #tpu.memory_space<hbm>>) dst(%dma_wait3A_274 : memref<128x32xf32, #tpu.memory_space<vmem>>)
      %dma_wait3A_281 = arith.constant 1 : i32
      %dma_wait3A_282 = arith.constant 128 : i32
      %dma_wait3A_283 = arith.constant 0 : i32
      %dma_wait3A_284 = tpu.memref_slice %arg6[%dma_wait3A_282, %dma_wait3A_283] : memref<1024x32xf32, #tpu.memory_space<vmem>> -> memref<128x32xf32, #tpu.memory_space<vmem>>
      %dma_wait3A_285 = arith.constant 0 : i32
      %dma_wait3A_286 = tpu.memref_slice %arg5[%mul3A_188, %dma_wait3A_281, %dma_wait3A_285] : memref<13x8x128xi32, #tpu.memory_space<vmem>> -> memref<1x1x128xi32, #tpu.memory_space<vmem>>
      %dma_wait3A_287 = tpu.memref_squeeze %dma_wait3A_286 : memref<1x1x128xi32, #tpu.memory_space<vmem>> -> memref<128xi32, #tpu.memory_space<vmem>>
      %dma_wait3A_288 = arith.constant 0 : i32
      %dma_wait3A_289 = arith.constant 0 : i32
      %dma_wait3A_290 = tpu.memref_slice %arg2[%dma_wait3A_288, %dma_wait3A_289] : memref<2600000x32xf32, #tpu.memory_space<hbm>> -> memref<2600000x32xf32, #tpu.memory_space<hbm>>
      tpu.wait_indirect_dma semaphore(%arg8 : memref<!tpu.dma_semaphore, #tpu.memory_space<semaphore_mem>>) src(%dma_wait3A_290 : memref<2600000x32xf32, #tpu.memory_space<hbm>>) dst(%dma_wait3A_284 : memref<128x32xf32, #tpu.memory_space<vmem>>)
      %dma_wait3A_291 = arith.constant 2 : i32
      %dma_wait3A_292 = arith.constant 256 : i32
      %dma_wait3A_293 = arith.constant 0 : i32
      %dma_wait3A_294 = tpu.memref_slice %arg6[%dma_wait3A_292, %dma_wait3A_293] : memref<1024x32xf32, #tpu.memory_space<vmem>> -> memref<128x32xf32, #tpu.memory_space<vmem>>
      %dma_wait3A_295 = arith.constant 0 : i32
      %dma_wait3A_296 = tpu.memref_slice %arg5[%mul3A_188, %dma_wait3A_291, %dma_wait3A_295] : memref<13x8x128xi32, #tpu.memory_space<vmem>> -> memref<1x1x128xi32, #tpu.memory_space<vmem>>
      %dma_wait3A_297 = tpu.memref_squeeze %dma_wait3A_296 : memref<1x1x128xi32, #tpu.memory_space<vmem>> -> memref<128xi32, #tpu.memory_space<vmem>>
      %dma_wait3A_298 = arith.constant 0 : i32
      %dma_wait3A_299 = arith.constant 0 : i32
      %dma_wait3A_300 = tpu.memref_slice %arg2[%dma_wait3A_298, %dma_wait3A_299] : memref<2600000x32xf32, #tpu.memory_space<hbm>> -> memref<2600000x32xf32, #tpu.memory_space<hbm>>
      tpu.wait_indirect_dma semaphore(%arg8 : memref<!tpu.dma_semaphore, #tpu.memory_space<semaphore_mem>>) src(%dma_wait3A_300 : memref<2600000x32xf32, #tpu.memory_space<hbm>>) dst(%dma_wait3A_294 : memref<128x32xf32, #tpu.memory_space<vmem>>)
      %dma_wait3A_301 = arith.constant 3 : i32
      %dma_wait3A_302 = arith.constant 384 : i32
      %dma_wait3A_303 = arith.constant 0 : i32
      %dma_wait3A_304 = tpu.memref_slice %arg6[%dma_wait3A_302, %dma_wait3A_303] : memref<1024x32xf32, #tpu.memory_space<vmem>> -> memref<128x32xf32, #tpu.memory_space<vmem>>
      %dma_wait3A_305 = arith.constant 0 : i32
      %dma_wait3A_306 = tpu.memref_slice %arg5[%mul3A_188, %dma_wait3A_301, %dma_wait3A_305] : memref<13x8x128xi32, #tpu.memory_space<vmem>> -> memref<1x1x128xi32, #tpu.memory_space<vmem>>
      %dma_wait3A_307 = tpu.memref_squeeze %dma_wait3A_306 : memref<1x1x128xi32, #tpu.memory_space<vmem>> -> memref<128xi32, #tpu.memory_space<vmem>>
      %dma_wait3A_308 = arith.constant 0 : i32
      %dma_wait3A_309 = arith.constant 0 : i32
      %dma_wait3A_310 = tpu.memref_slice %arg2[%dma_wait3A_308, %dma_wait3A_309] : memref<2600000x32xf32, #tpu.memory_space<hbm>> -> memref<2600000x32xf32, #tpu.memory_space<hbm>>
      tpu.wait_indirect_dma semaphore(%arg8 : memref<!tpu.dma_semaphore, #tpu.memory_space<semaphore_mem>>) src(%dma_wait3A_310 : memref<2600000x32xf32, #tpu.memory_space<hbm>>) dst(%dma_wait3A_304 : memref<128x32xf32, #tpu.memory_space<vmem>>)
      %dma_wait3A_311 = arith.constant 4 : i32
      %dma_wait3A_312 = arith.constant 512 : i32
      %dma_wait3A_313 = arith.constant 0 : i32
      %dma_wait3A_314 = tpu.memref_slice %arg6[%dma_wait3A_312, %dma_wait3A_313] : memref<1024x32xf32, #tpu.memory_space<vmem>> -> memref<128x32xf32, #tpu.memory_space<vmem>>
      %dma_wait3A_315 = arith.constant 0 : i32
      %dma_wait3A_316 = tpu.memref_slice %arg5[%mul3A_188, %dma_wait3A_311, %dma_wait3A_315] : memref<13x8x128xi32, #tpu.memory_space<vmem>> -> memref<1x1x128xi32, #tpu.memory_space<vmem>>
      %dma_wait3A_317 = tpu.memref_squeeze %dma_wait3A_316 : memref<1x1x128xi32, #tpu.memory_space<vmem>> -> memref<128xi32, #tpu.memory_space<vmem>>
      %dma_wait3A_318 = arith.constant 0 : i32
      %dma_wait3A_319 = arith.constant 0 : i32
      %dma_wait3A_320 = tpu.memref_slice %arg2[%dma_wait3A_318, %dma_wait3A_319] : memref<2600000x32xf32, #tpu.memory_space<hbm>> -> memref<2600000x32xf32, #tpu.memory_space<hbm>>
      tpu.wait_indirect_dma semaphore(%arg8 : memref<!tpu.dma_semaphore, #tpu.memory_space<semaphore_mem>>) src(%dma_wait3A_320 : memref<2600000x32xf32, #tpu.memory_space<hbm>>) dst(%dma_wait3A_314 : memref<128x32xf32, #tpu.memory_space<vmem>>)
      %dma_wait3A_321 = arith.constant 5 : i32
      %dma_wait3A_322 = arith.constant 640 : i32
      %dma_wait3A_323 = arith.constant 0 : i32
      %dma_wait3A_324 = tpu.memref_slice %arg6[%dma_wait3A_322, %dma_wait3A_323] : memref<1024x32xf32, #tpu.memory_space<vmem>> -> memref<128x32xf32, #tpu.memory_space<vmem>>
      %dma_wait3A_325 = arith.constant 0 : i32
      %dma_wait3A_326 = tpu.memref_slice %arg5[%mul3A_188, %dma_wait3A_321, %dma_wait3A_325] : memref<13x8x128xi32, #tpu.memory_space<vmem>> -> memref<1x1x128xi32, #tpu.memory_space<vmem>>
      %dma_wait3A_327 = tpu.memref_squeeze %dma_wait3A_326 : memref<1x1x128xi32, #tpu.memory_space<vmem>> -> memref<128xi32, #tpu.memory_space<vmem>>
      %dma_wait3A_328 = arith.constant 0 : i32
      %dma_wait3A_329 = arith.constant 0 : i32
      %dma_wait3A_330 = tpu.memref_slice %arg2[%dma_wait3A_328, %dma_wait3A_329] : memref<2600000x32xf32, #tpu.memory_space<hbm>> -> memref<2600000x32xf32, #tpu.memory_space<hbm>>
      tpu.wait_indirect_dma semaphore(%arg8 : memref<!tpu.dma_semaphore, #tpu.memory_space<semaphore_mem>>) src(%dma_wait3A_330 : memref<2600000x32xf32, #tpu.memory_space<hbm>>) dst(%dma_wait3A_324 : memref<128x32xf32, #tpu.memory_space<vmem>>)
      %dma_wait3A_331 = arith.constant 6 : i32
      %dma_wait3A_332 = arith.constant 768 : i32
      %dma_wait3A_333 = arith.constant 0 : i32
      %dma_wait3A_334 = tpu.memref_slice %arg6[%dma_wait3A_332, %dma_wait3A_333] : memref<1024x32xf32, #tpu.memory_space<vmem>> -> memref<128x32xf32, #tpu.memory_space<vmem>>
      %dma_wait3A_335 = arith.constant 0 : i32
      %dma_wait3A_336 = tpu.memref_slice %arg5[%mul3A_188, %dma_wait3A_331, %dma_wait3A_335] : memref<13x8x128xi32, #tpu.memory_space<vmem>> -> memref<1x1x128xi32, #tpu.memory_space<vmem>>
      %dma_wait3A_337 = tpu.memref_squeeze %dma_wait3A_336 : memref<1x1x128xi32, #tpu.memory_space<vmem>> -> memref<128xi32, #tpu.memory_space<vmem>>
      %dma_wait3A_338 = arith.constant 0 : i32
      %dma_wait3A_339 = arith.constant 0 : i32
      %dma_wait3A_340 = tpu.memref_slice %arg2[%dma_wait3A_338, %dma_wait3A_339] : memref<2600000x32xf32, #tpu.memory_space<hbm>> -> memref<2600000x32xf32, #tpu.memory_space<hbm>>
      tpu.wait_indirect_dma semaphore(%arg8 : memref<!tpu.dma_semaphore, #tpu.memory_space<semaphore_mem>>) src(%dma_wait3A_340 : memref<2600000x32xf32, #tpu.memory_space<hbm>>) dst(%dma_wait3A_334 : memref<128x32xf32, #tpu.memory_space<vmem>>)
      %dma_wait3A_341 = arith.constant 7 : i32
      %dma_wait3A_342 = arith.constant 896 : i32
      %dma_wait3A_343 = arith.constant 0 : i32
      %dma_wait3A_344 = tpu.memref_slice %arg6[%dma_wait3A_342, %dma_wait3A_343] : memref<1024x32xf32, #tpu.memory_space<vmem>> -> memref<128x32xf32, #tpu.memory_space<vmem>>
      %dma_wait3A_345 = arith.constant 0 : i32
      %dma_wait3A_346 = tpu.memref_slice %arg5[%mul3A_188, %dma_wait3A_341, %dma_wait3A_345] : memref<13x8x128xi32, #tpu.memory_space<vmem>> -> memref<1x1x128xi32, #tpu.memory_space<vmem>>
      %dma_wait3A_347 = tpu.memref_squeeze %dma_wait3A_346 : memref<1x1x128xi32, #tpu.memory_space<vmem>> -> memref<128xi32, #tpu.memory_space<vmem>>
      %dma_wait3A_348 = arith.constant 0 : i32
      %dma_wait3A_349 = arith.constant 0 : i32
      %dma_wait3A_350 = tpu.memref_slice %arg2[%dma_wait3A_348, %dma_wait3A_349] : memref<2600000x32xf32, #tpu.memory_space<hbm>> -> memref<2600000x32xf32, #tpu.memory_space<hbm>>
      tpu.wait_indirect_dma semaphore(%arg8 : memref<!tpu.dma_semaphore, #tpu.memory_space<semaphore_mem>>) src(%dma_wait3A_350 : memref<2600000x32xf32, #tpu.memory_space<hbm>>) dst(%dma_wait3A_344 : memref<128x32xf32, #tpu.memory_space<vmem>>)
      %mul3A_351 = arith.constant 13 : i32
      %mul3A_352 = arith.muli %add3A, %mul3A_351 : i32
      %add3A_353 = arith.addi %mul3A_352, %mul3A_188 : i32
      "tpu.region"() ({
        %run_scoped3A = tpu.sem_alloc : memref<!tpu.dma_semaphore, #tpu.memory_space<semaphore_mem>>
        %dma_start3A_523 = arith.constant 0 : i32
        %dma_start3A_524 = arith.constant 0 : i32
        %dma_start3A_525 = tpu.memref_slice %arg4[%add3A_353, %dma_start3A_523, %dma_start3A_524] : memref<416x1024x32xf32, #tpu.memory_space<hbm>> -> memref<1x1024x32xf32, #tpu.memory_space<hbm>>
        %dma_start3A_526 = tpu.memref_squeeze %dma_start3A_525 : memref<1x1024x32xf32, #tpu.memory_space<hbm>> -> memref<1024x32xf32, #tpu.memory_space<hbm>>
        %dma_start3A_527 = arith.constant 0 : i32
        %dma_start3A_528 = arith.constant 0 : i32
        %dma_start3A_529 = tpu.memref_slice %arg4[%add3A_353, %dma_start3A_527, %dma_start3A_528] : memref<416x1024x32xf32, #tpu.memory_space<hbm>> -> memref<1x1024x32xf32, #tpu.memory_space<hbm>>
        %dma_start3A_530 = tpu.memref_squeeze %dma_start3A_529 : memref<1x1024x32xf32, #tpu.memory_space<hbm>> -> memref<1024x32xf32, #tpu.memory_space<hbm>>
        tpu.enqueue_dma source(%arg6 : memref<1024x32xf32, #tpu.memory_space<vmem>>) target(%dma_start3A_530 : memref<1024x32xf32, #tpu.memory_space<hbm>>) target_semaphore(%run_scoped3A : memref<!tpu.dma_semaphore, #tpu.memory_space<semaphore_mem>>)
        %dma_wait3A_531 = arith.constant 0 : i32
        %dma_wait3A_532 = arith.constant 0 : i32
        %dma_wait3A_533 = tpu.memref_slice %arg4[%add3A_353, %dma_wait3A_531, %dma_wait3A_532] : memref<416x1024x32xf32, #tpu.memory_space<hbm>> -> memref<1x1024x32xf32, #tpu.memory_space<hbm>>
        %dma_wait3A_534 = tpu.memref_squeeze %dma_wait3A_533 : memref<1x1024x32xf32, #tpu.memory_space<hbm>> -> memref<1024x32xf32, #tpu.memory_space<hbm>>
        %dma_wait3A_535 = arith.constant 0 : i32
        %dma_wait3A_536 = arith.constant 0 : i32
        %dma_wait3A_537 = tpu.memref_slice %arg4[%add3A_353, %dma_wait3A_535, %dma_wait3A_536] : memref<416x1024x32xf32, #tpu.memory_space<hbm>> -> memref<1x1024x32xf32, #tpu.memory_space<hbm>>
        %dma_wait3A_538 = tpu.memref_squeeze %dma_wait3A_537 : memref<1x1024x32xf32, #tpu.memory_space<hbm>> -> memref<1024x32xf32, #tpu.memory_space<hbm>>
        tpu.wait_dma2 semaphore(%run_scoped3A : memref<!tpu.dma_semaphore, #tpu.memory_space<semaphore_mem>>) src(%arg6 : memref<1024x32xf32, #tpu.memory_space<vmem>>) dst(%dma_wait3A_538 : memref<1024x32xf32, #tpu.memory_space<hbm>>)
        tpu.yield
      }) : () -> ()
      %add3A_354 = arith.constant 2 : i32
      %add3A_355 = arith.addi %mul3A_188, %add3A_354 : i32
      %dma_start3A_356 = arith.constant 0 : i32
      %dma_start3A_357 = arith.constant 0 : i32
      %dma_start3A_358 = arith.constant 0 : i32
      %dma_start3A_359 = tpu.memref_slice %arg6[%dma_start3A_357, %dma_start3A_358] : memref<1024x32xf32, #tpu.memory_space<vmem>> -> memref<128x32xf32, #tpu.memory_space<vmem>>
      %dma_start3A_360 = arith.constant 0 : i32
      %dma_start3A_361 = tpu.memref_slice %arg5[%add3A_355, %dma_start3A_356, %dma_start3A_360] : memref<13x8x128xi32, #tpu.memory_space<vmem>> -> memref<1x1x128xi32, #tpu.memory_space<vmem>>
      %dma_start3A_362 = tpu.memref_squeeze %dma_start3A_361 : memref<1x1x128xi32, #tpu.memory_space<vmem>> -> memref<128xi32, #tpu.memory_space<vmem>>
      %dma_start3A_363 = arith.constant 0 : i32
      %dma_start3A_364 = arith.constant 0 : i32
      %dma_start3A_365 = tpu.memref_slice %arg2[%dma_start3A_363, %dma_start3A_364] : memref<2600000x32xf32, #tpu.memory_space<hbm>> -> memref<2600000x32xf32, #tpu.memory_space<hbm>>
      tpu.enqueue_indirect_dma source(%dma_start3A_365 : memref<2600000x32xf32, #tpu.memory_space<hbm>>) target(%dma_start3A_359 : memref<128x32xf32, #tpu.memory_space<vmem>>) offsets(%dma_start3A_362 : memref<128xi32, #tpu.memory_space<vmem>>) semaphore(%arg8 : memref<!tpu.dma_semaphore, #tpu.memory_space<semaphore_mem>>)
      %dma_start3A_366 = arith.constant 1 : i32
      %dma_start3A_367 = arith.constant 128 : i32
      %dma_start3A_368 = arith.constant 0 : i32
      %dma_start3A_369 = tpu.memref_slice %arg6[%dma_start3A_367, %dma_start3A_368] : memref<1024x32xf32, #tpu.memory_space<vmem>> -> memref<128x32xf32, #tpu.memory_space<vmem>>
      %dma_start3A_370 = arith.constant 0 : i32
      %dma_start3A_371 = tpu.memref_slice %arg5[%add3A_355, %dma_start3A_366, %dma_start3A_370] : memref<13x8x128xi32, #tpu.memory_space<vmem>> -> memref<1x1x128xi32, #tpu.memory_space<vmem>>
      %dma_start3A_372 = tpu.memref_squeeze %dma_start3A_371 : memref<1x1x128xi32, #tpu.memory_space<vmem>> -> memref<128xi32, #tpu.memory_space<vmem>>
      %dma_start3A_373 = arith.constant 0 : i32
      %dma_start3A_374 = arith.constant 0 : i32
      %dma_start3A_375 = tpu.memref_slice %arg2[%dma_start3A_373, %dma_start3A_374] : memref<2600000x32xf32, #tpu.memory_space<hbm>> -> memref<2600000x32xf32, #tpu.memory_space<hbm>>
      tpu.enqueue_indirect_dma source(%dma_start3A_375 : memref<2600000x32xf32, #tpu.memory_space<hbm>>) target(%dma_start3A_369 : memref<128x32xf32, #tpu.memory_space<vmem>>) offsets(%dma_start3A_372 : memref<128xi32, #tpu.memory_space<vmem>>) semaphore(%arg8 : memref<!tpu.dma_semaphore, #tpu.memory_space<semaphore_mem>>)
      %dma_start3A_376 = arith.constant 2 : i32
      %dma_start3A_377 = arith.constant 256 : i32
      %dma_start3A_378 = arith.constant 0 : i32
      %dma_start3A_379 = tpu.memref_slice %arg6[%dma_start3A_377, %dma_start3A_378] : memref<1024x32xf32, #tpu.memory_space<vmem>> -> memref<128x32xf32, #tpu.memory_space<vmem>>
      %dma_start3A_380 = arith.constant 0 : i32
      %dma_start3A_381 = tpu.memref_slice %arg5[%add3A_355, %dma_start3A_376, %dma_start3A_380] : memref<13x8x128xi32, #tpu.memory_space<vmem>> -> memref<1x1x128xi32, #tpu.memory_space<vmem>>
      %dma_start3A_382 = tpu.memref_squeeze %dma_start3A_381 : memref<1x1x128xi32, #tpu.memory_space<vmem>> -> memref<128xi32, #tpu.memory_space<vmem>>
      %dma_start3A_383 = arith.constant 0 : i32
      %dma_start3A_384 = arith.constant 0 : i32
      %dma_start3A_385 = tpu.memref_slice %arg2[%dma_start3A_383, %dma_start3A_384] : memref<2600000x32xf32, #tpu.memory_space<hbm>> -> memref<2600000x32xf32, #tpu.memory_space<hbm>>
      tpu.enqueue_indirect_dma source(%dma_start3A_385 : memref<2600000x32xf32, #tpu.memory_space<hbm>>) target(%dma_start3A_379 : memref<128x32xf32, #tpu.memory_space<vmem>>) offsets(%dma_start3A_382 : memref<128xi32, #tpu.memory_space<vmem>>) semaphore(%arg8 : memref<!tpu.dma_semaphore, #tpu.memory_space<semaphore_mem>>)
      %dma_start3A_386 = arith.constant 3 : i32
      %dma_start3A_387 = arith.constant 384 : i32
      %dma_start3A_388 = arith.constant 0 : i32
      %dma_start3A_389 = tpu.memref_slice %arg6[%dma_start3A_387, %dma_start3A_388] : memref<1024x32xf32, #tpu.memory_space<vmem>> -> memref<128x32xf32, #tpu.memory_space<vmem>>
      %dma_start3A_390 = arith.constant 0 : i32
      %dma_start3A_391 = tpu.memref_slice %arg5[%add3A_355, %dma_start3A_386, %dma_start3A_390] : memref<13x8x128xi32, #tpu.memory_space<vmem>> -> memref<1x1x128xi32, #tpu.memory_space<vmem>>
      %dma_start3A_392 = tpu.memref_squeeze %dma_start3A_391 : memref<1x1x128xi32, #tpu.memory_space<vmem>> -> memref<128xi32, #tpu.memory_space<vmem>>
      %dma_start3A_393 = arith.constant 0 : i32
      %dma_start3A_394 = arith.constant 0 : i32
      %dma_start3A_395 = tpu.memref_slice %arg2[%dma_start3A_393, %dma_start3A_394] : memref<2600000x32xf32, #tpu.memory_space<hbm>> -> memref<2600000x32xf32, #tpu.memory_space<hbm>>
      tpu.enqueue_indirect_dma source(%dma_start3A_395 : memref<2600000x32xf32, #tpu.memory_space<hbm>>) target(%dma_start3A_389 : memref<128x32xf32, #tpu.memory_space<vmem>>) offsets(%dma_start3A_392 : memref<128xi32, #tpu.memory_space<vmem>>) semaphore(%arg8 : memref<!tpu.dma_semaphore, #tpu.memory_space<semaphore_mem>>)
      %dma_start3A_396 = arith.constant 4 : i32
      %dma_start3A_397 = arith.constant 512 : i32
      %dma_start3A_398 = arith.constant 0 : i32
      %dma_start3A_399 = tpu.memref_slice %arg6[%dma_start3A_397, %dma_start3A_398] : memref<1024x32xf32, #tpu.memory_space<vmem>> -> memref<128x32xf32, #tpu.memory_space<vmem>>
      %dma_start3A_400 = arith.constant 0 : i32
      %dma_start3A_401 = tpu.memref_slice %arg5[%add3A_355, %dma_start3A_396, %dma_start3A_400] : memref<13x8x128xi32, #tpu.memory_space<vmem>> -> memref<1x1x128xi32, #tpu.memory_space<vmem>>
      %dma_start3A_402 = tpu.memref_squeeze %dma_start3A_401 : memref<1x1x128xi32, #tpu.memory_space<vmem>> -> memref<128xi32, #tpu.memory_space<vmem>>
      %dma_start3A_403 = arith.constant 0 : i32
      %dma_start3A_404 = arith.constant 0 : i32
      %dma_start3A_405 = tpu.memref_slice %arg2[%dma_start3A_403, %dma_start3A_404] : memref<2600000x32xf32, #tpu.memory_space<hbm>> -> memref<2600000x32xf32, #tpu.memory_space<hbm>>
      tpu.enqueue_indirect_dma source(%dma_start3A_405 : memref<2600000x32xf32, #tpu.memory_space<hbm>>) target(%dma_start3A_399 : memref<128x32xf32, #tpu.memory_space<vmem>>) offsets(%dma_start3A_402 : memref<128xi32, #tpu.memory_space<vmem>>) semaphore(%arg8 : memref<!tpu.dma_semaphore, #tpu.memory_space<semaphore_mem>>)
      %dma_start3A_406 = arith.constant 5 : i32
      %dma_start3A_407 = arith.constant 640 : i32
      %dma_start3A_408 = arith.constant 0 : i32
      %dma_start3A_409 = tpu.memref_slice %arg6[%dma_start3A_407, %dma_start3A_408] : memref<1024x32xf32, #tpu.memory_space<vmem>> -> memref<128x32xf32, #tpu.memory_space<vmem>>
      %dma_start3A_410 = arith.constant 0 : i32
      %dma_start3A_411 = tpu.memref_slice %arg5[%add3A_355, %dma_start3A_406, %dma_start3A_410] : memref<13x8x128xi32, #tpu.memory_space<vmem>> -> memref<1x1x128xi32, #tpu.memory_space<vmem>>
      %dma_start3A_412 = tpu.memref_squeeze %dma_start3A_411 : memref<1x1x128xi32, #tpu.memory_space<vmem>> -> memref<128xi32, #tpu.memory_space<vmem>>
      %dma_start3A_413 = arith.constant 0 : i32
      %dma_start3A_414 = arith.constant 0 : i32
      %dma_start3A_415 = tpu.memref_slice %arg2[%dma_start3A_413, %dma_start3A_414] : memref<2600000x32xf32, #tpu.memory_space<hbm>> -> memref<2600000x32xf32, #tpu.memory_space<hbm>>
      tpu.enqueue_indirect_dma source(%dma_start3A_415 : memref<2600000x32xf32, #tpu.memory_space<hbm>>) target(%dma_start3A_409 : memref<128x32xf32, #tpu.memory_space<vmem>>) offsets(%dma_start3A_412 : memref<128xi32, #tpu.memory_space<vmem>>) semaphore(%arg8 : memref<!tpu.dma_semaphore, #tpu.memory_space<semaphore_mem>>)
      %dma_start3A_416 = arith.constant 6 : i32
      %dma_start3A_417 = arith.constant 768 : i32
      %dma_start3A_418 = arith.constant 0 : i32
      %dma_start3A_419 = tpu.memref_slice %arg6[%dma_start3A_417, %dma_start3A_418] : memref<1024x32xf32, #tpu.memory_space<vmem>> -> memref<128x32xf32, #tpu.memory_space<vmem>>
      %dma_start3A_420 = arith.constant 0 : i32
      %dma_start3A_421 = tpu.memref_slice %arg5[%add3A_355, %dma_start3A_416, %dma_start3A_420] : memref<13x8x128xi32, #tpu.memory_space<vmem>> -> memref<1x1x128xi32, #tpu.memory_space<vmem>>
      %dma_start3A_422 = tpu.memref_squeeze %dma_start3A_421 : memref<1x1x128xi32, #tpu.memory_space<vmem>> -> memref<128xi32, #tpu.memory_space<vmem>>
      %dma_start3A_423 = arith.constant 0 : i32
      %dma_start3A_424 = arith.constant 0 : i32
      %dma_start3A_425 = tpu.memref_slice %arg2[%dma_start3A_423, %dma_start3A_424] : memref<2600000x32xf32, #tpu.memory_space<hbm>> -> memref<2600000x32xf32, #tpu.memory_space<hbm>>
      tpu.enqueue_indirect_dma source(%dma_start3A_425 : memref<2600000x32xf32, #tpu.memory_space<hbm>>) target(%dma_start3A_419 : memref<128x32xf32, #tpu.memory_space<vmem>>) offsets(%dma_start3A_422 : memref<128xi32, #tpu.memory_space<vmem>>) semaphore(%arg8 : memref<!tpu.dma_semaphore, #tpu.memory_space<semaphore_mem>>)
      %dma_start3A_426 = arith.constant 7 : i32
      %dma_start3A_427 = arith.constant 896 : i32
      %dma_start3A_428 = arith.constant 0 : i32
      %dma_start3A_429 = tpu.memref_slice %arg6[%dma_start3A_427, %dma_start3A_428] : memref<1024x32xf32, #tpu.memory_space<vmem>> -> memref<128x32xf32, #tpu.memory_space<vmem>>
      %dma_start3A_430 = arith.constant 0 : i32
      %dma_start3A_431 = tpu.memref_slice %arg5[%add3A_355, %dma_start3A_426, %dma_start3A_430] : memref<13x8x128xi32, #tpu.memory_space<vmem>> -> memref<1x1x128xi32, #tpu.memory_space<vmem>>
      %dma_start3A_432 = tpu.memref_squeeze %dma_start3A_431 : memref<1x1x128xi32, #tpu.memory_space<vmem>> -> memref<128xi32, #tpu.memory_space<vmem>>
      %dma_start3A_433 = arith.constant 0 : i32
      %dma_start3A_434 = arith.constant 0 : i32
      %dma_start3A_435 = tpu.memref_slice %arg2[%dma_start3A_433, %dma_start3A_434] : memref<2600000x32xf32, #tpu.memory_space<hbm>> -> memref<2600000x32xf32, #tpu.memory_space<hbm>>
      tpu.enqueue_indirect_dma source(%dma_start3A_435 : memref<2600000x32xf32, #tpu.memory_space<hbm>>) target(%dma_start3A_429 : memref<128x32xf32, #tpu.memory_space<vmem>>) offsets(%dma_start3A_432 : memref<128xi32, #tpu.memory_space<vmem>>) semaphore(%arg8 : memref<!tpu.dma_semaphore, #tpu.memory_space<semaphore_mem>>)
      %add3A_436 = arith.constant 1 : i32
      %add3A_437 = arith.addi %mul3A_188, %add3A_436 : i32
      %dma_wait3A_438 = arith.constant 0 : i32
      %dma_wait3A_439 = arith.constant 0 : i32
      %dma_wait3A_440 = arith.constant 0 : i32
      %dma_wait3A_441 = tpu.memref_slice %arg7[%dma_wait3A_439, %dma_wait3A_440] : memref<1024x32xf32, #tpu.memory_space<vmem>> -> memref<128x32xf32, #tpu.memory_space<vmem>>
      %dma_wait3A_442 = arith.constant 0 : i32
      %dma_wait3A_443 = tpu.memref_slice %arg5[%add3A_437, %dma_wait3A_438, %dma_wait3A_442] : memref<13x8x128xi32, #tpu.memory_space<vmem>> -> memref<1x1x128xi32, #tpu.memory_space<vmem>>
      %dma_wait3A_444 = tpu.memref_squeeze %dma_wait3A_443 : memref<1x1x128xi32, #tpu.memory_space<vmem>> -> memref<128xi32, #tpu.memory_space<vmem>>
      %dma_wait3A_445 = arith.constant 0 : i32
      %dma_wait3A_446 = arith.constant 0 : i32
      %dma_wait3A_447 = tpu.memref_slice %arg2[%dma_wait3A_445, %dma_wait3A_446] : memref<2600000x32xf32, #tpu.memory_space<hbm>> -> memref<2600000x32xf32, #tpu.memory_space<hbm>>
      tpu.wait_indirect_dma semaphore(%arg9 : memref<!tpu.dma_semaphore, #tpu.memory_space<semaphore_mem>>) src(%dma_wait3A_447 : memref<2600000x32xf32, #tpu.memory_space<hbm>>) dst(%dma_wait3A_441 : memref<128x32xf32, #tpu.memory_space<vmem>>)
      %dma_wait3A_448 = arith.constant 1 : i32
      %dma_wait3A_449 = arith.constant 128 : i32
      %dma_wait3A_450 = arith.constant 0 : i32
      %dma_wait3A_451 = tpu.memref_slice %arg7[%dma_wait3A_449, %dma_wait3A_450] : memref<1024x32xf32, #tpu.memory_space<vmem>> -> memref<128x32xf32, #tpu.memory_space<vmem>>
      %dma_wait3A_452 = arith.constant 0 : i32
      %dma_wait3A_453 = tpu.memref_slice %arg5[%add3A_437, %dma_wait3A_448, %dma_wait3A_452] : memref<13x8x128xi32, #tpu.memory_space<vmem>> -> memref<1x1x128xi32, #tpu.memory_space<vmem>>
      %dma_wait3A_454 = tpu.memref_squeeze %dma_wait3A_453 : memref<1x1x128xi32, #tpu.memory_space<vmem>> -> memref<128xi32, #tpu.memory_space<vmem>>
      %dma_wait3A_455 = arith.constant 0 : i32
      %dma_wait3A_456 = arith.constant 0 : i32
      %dma_wait3A_457 = tpu.memref_slice %arg2[%dma_wait3A_455, %dma_wait3A_456] : memref<2600000x32xf32, #tpu.memory_space<hbm>> -> memref<2600000x32xf32, #tpu.memory_space<hbm>>
      tpu.wait_indirect_dma semaphore(%arg9 : memref<!tpu.dma_semaphore, #tpu.memory_space<semaphore_mem>>) src(%dma_wait3A_457 : memref<2600000x32xf32, #tpu.memory_space<hbm>>) dst(%dma_wait3A_451 : memref<128x32xf32, #tpu.memory_space<vmem>>)
      %dma_wait3A_458 = arith.constant 2 : i32
      %dma_wait3A_459 = arith.constant 256 : i32
      %dma_wait3A_460 = arith.constant 0 : i32
      %dma_wait3A_461 = tpu.memref_slice %arg7[%dma_wait3A_459, %dma_wait3A_460] : memref<1024x32xf32, #tpu.memory_space<vmem>> -> memref<128x32xf32, #tpu.memory_space<vmem>>
      %dma_wait3A_462 = arith.constant 0 : i32
      %dma_wait3A_463 = tpu.memref_slice %arg5[%add3A_437, %dma_wait3A_458, %dma_wait3A_462] : memref<13x8x128xi32, #tpu.memory_space<vmem>> -> memref<1x1x128xi32, #tpu.memory_space<vmem>>
      %dma_wait3A_464 = tpu.memref_squeeze %dma_wait3A_463 : memref<1x1x128xi32, #tpu.memory_space<vmem>> -> memref<128xi32, #tpu.memory_space<vmem>>
      %dma_wait3A_465 = arith.constant 0 : i32
      %dma_wait3A_466 = arith.constant 0 : i32
      %dma_wait3A_467 = tpu.memref_slice %arg2[%dma_wait3A_465, %dma_wait3A_466] : memref<2600000x32xf32, #tpu.memory_space<hbm>> -> memref<2600000x32xf32, #tpu.memory_space<hbm>>
      tpu.wait_indirect_dma semaphore(%arg9 : memref<!tpu.dma_semaphore, #tpu.memory_space<semaphore_mem>>) src(%dma_wait3A_467 : memref<2600000x32xf32, #tpu.memory_space<hbm>>) dst(%dma_wait3A_461 : memref<128x32xf32, #tpu.memory_space<vmem>>)
      %dma_wait3A_468 = arith.constant 3 : i32
      %dma_wait3A_469 = arith.constant 384 : i32
      %dma_wait3A_470 = arith.constant 0 : i32
      %dma_wait3A_471 = tpu.memref_slice %arg7[%dma_wait3A_469, %dma_wait3A_470] : memref<1024x32xf32, #tpu.memory_space<vmem>> -> memref<128x32xf32, #tpu.memory_space<vmem>>
      %dma_wait3A_472 = arith.constant 0 : i32
      %dma_wait3A_473 = tpu.memref_slice %arg5[%add3A_437, %dma_wait3A_468, %dma_wait3A_472] : memref<13x8x128xi32, #tpu.memory_space<vmem>> -> memref<1x1x128xi32, #tpu.memory_space<vmem>>
      %dma_wait3A_474 = tpu.memref_squeeze %dma_wait3A_473 : memref<1x1x128xi32, #tpu.memory_space<vmem>> -> memref<128xi32, #tpu.memory_space<vmem>>
      %dma_wait3A_475 = arith.constant 0 : i32
      %dma_wait3A_476 = arith.constant 0 : i32
      %dma_wait3A_477 = tpu.memref_slice %arg2[%dma_wait3A_475, %dma_wait3A_476] : memref<2600000x32xf32, #tpu.memory_space<hbm>> -> memref<2600000x32xf32, #tpu.memory_space<hbm>>
      tpu.wait_indirect_dma semaphore(%arg9 : memref<!tpu.dma_semaphore, #tpu.memory_space<semaphore_mem>>) src(%dma_wait3A_477 : memref<2600000x32xf32, #tpu.memory_space<hbm>>) dst(%dma_wait3A_471 : memref<128x32xf32, #tpu.memory_space<vmem>>)
      %dma_wait3A_478 = arith.constant 4 : i32
      %dma_wait3A_479 = arith.constant 512 : i32
      %dma_wait3A_480 = arith.constant 0 : i32
      %dma_wait3A_481 = tpu.memref_slice %arg7[%dma_wait3A_479, %dma_wait3A_480] : memref<1024x32xf32, #tpu.memory_space<vmem>> -> memref<128x32xf32, #tpu.memory_space<vmem>>
      %dma_wait3A_482 = arith.constant 0 : i32
      %dma_wait3A_483 = tpu.memref_slice %arg5[%add3A_437, %dma_wait3A_478, %dma_wait3A_482] : memref<13x8x128xi32, #tpu.memory_space<vmem>> -> memref<1x1x128xi32, #tpu.memory_space<vmem>>
      %dma_wait3A_484 = tpu.memref_squeeze %dma_wait3A_483 : memref<1x1x128xi32, #tpu.memory_space<vmem>> -> memref<128xi32, #tpu.memory_space<vmem>>
      %dma_wait3A_485 = arith.constant 0 : i32
      %dma_wait3A_486 = arith.constant 0 : i32
      %dma_wait3A_487 = tpu.memref_slice %arg2[%dma_wait3A_485, %dma_wait3A_486] : memref<2600000x32xf32, #tpu.memory_space<hbm>> -> memref<2600000x32xf32, #tpu.memory_space<hbm>>
      tpu.wait_indirect_dma semaphore(%arg9 : memref<!tpu.dma_semaphore, #tpu.memory_space<semaphore_mem>>) src(%dma_wait3A_487 : memref<2600000x32xf32, #tpu.memory_space<hbm>>) dst(%dma_wait3A_481 : memref<128x32xf32, #tpu.memory_space<vmem>>)
      %dma_wait3A_488 = arith.constant 5 : i32
      %dma_wait3A_489 = arith.constant 640 : i32
      %dma_wait3A_490 = arith.constant 0 : i32
      %dma_wait3A_491 = tpu.memref_slice %arg7[%dma_wait3A_489, %dma_wait3A_490] : memref<1024x32xf32, #tpu.memory_space<vmem>> -> memref<128x32xf32, #tpu.memory_space<vmem>>
      %dma_wait3A_492 = arith.constant 0 : i32
      %dma_wait3A_493 = tpu.memref_slice %arg5[%add3A_437, %dma_wait3A_488, %dma_wait3A_492] : memref<13x8x128xi32, #tpu.memory_space<vmem>> -> memref<1x1x128xi32, #tpu.memory_space<vmem>>
      %dma_wait3A_494 = tpu.memref_squeeze %dma_wait3A_493 : memref<1x1x128xi32, #tpu.memory_space<vmem>> -> memref<128xi32, #tpu.memory_space<vmem>>
      %dma_wait3A_495 = arith.constant 0 : i32
      %dma_wait3A_496 = arith.constant 0 : i32
      %dma_wait3A_497 = tpu.memref_slice %arg2[%dma_wait3A_495, %dma_wait3A_496] : memref<2600000x32xf32, #tpu.memory_space<hbm>> -> memref<2600000x32xf32, #tpu.memory_space<hbm>>
      tpu.wait_indirect_dma semaphore(%arg9 : memref<!tpu.dma_semaphore, #tpu.memory_space<semaphore_mem>>) src(%dma_wait3A_497 : memref<2600000x32xf32, #tpu.memory_space<hbm>>) dst(%dma_wait3A_491 : memref<128x32xf32, #tpu.memory_space<vmem>>)
      %dma_wait3A_498 = arith.constant 6 : i32
      %dma_wait3A_499 = arith.constant 768 : i32
      %dma_wait3A_500 = arith.constant 0 : i32
      %dma_wait3A_501 = tpu.memref_slice %arg7[%dma_wait3A_499, %dma_wait3A_500] : memref<1024x32xf32, #tpu.memory_space<vmem>> -> memref<128x32xf32, #tpu.memory_space<vmem>>
      %dma_wait3A_502 = arith.constant 0 : i32
      %dma_wait3A_503 = tpu.memref_slice %arg5[%add3A_437, %dma_wait3A_498, %dma_wait3A_502] : memref<13x8x128xi32, #tpu.memory_space<vmem>> -> memref<1x1x128xi32, #tpu.memory_space<vmem>>
      %dma_wait3A_504 = tpu.memref_squeeze %dma_wait3A_503 : memref<1x1x128xi32, #tpu.memory_space<vmem>> -> memref<128xi32, #tpu.memory_space<vmem>>
      %dma_wait3A_505 = arith.constant 0 : i32
      %dma_wait3A_506 = arith.constant 0 : i32
      %dma_wait3A_507 = tpu.memref_slice %arg2[%dma_wait3A_505, %dma_wait3A_506] : memref<2600000x32xf32, #tpu.memory_space<hbm>> -> memref<2600000x32xf32, #tpu.memory_space<hbm>>
      tpu.wait_indirect_dma semaphore(%arg9 : memref<!tpu.dma_semaphore, #tpu.memory_space<semaphore_mem>>) src(%dma_wait3A_507 : memref<2600000x32xf32, #tpu.memory_space<hbm>>) dst(%dma_wait3A_501 : memref<128x32xf32, #tpu.memory_space<vmem>>)
      %dma_wait3A_508 = arith.constant 7 : i32
      %dma_wait3A_509 = arith.constant 896 : i32
      %dma_wait3A_510 = arith.constant 0 : i32
      %dma_wait3A_511 = tpu.memref_slice %arg7[%dma_wait3A_509, %dma_wait3A_510] : memref<1024x32xf32, #tpu.memory_space<vmem>> -> memref<128x32xf32, #tpu.memory_space<vmem>>
      %dma_wait3A_512 = arith.constant 0 : i32
      %dma_wait3A_513 = tpu.memref_slice %arg5[%add3A_437, %dma_wait3A_508, %dma_wait3A_512] : memref<13x8x128xi32, #tpu.memory_space<vmem>> -> memref<1x1x128xi32, #tpu.memory_space<vmem>>
      %dma_wait3A_514 = tpu.memref_squeeze %dma_wait3A_513 : memref<1x1x128xi32, #tpu.memory_space<vmem>> -> memref<128xi32, #tpu.memory_space<vmem>>
      %dma_wait3A_515 = arith.constant 0 : i32
      %dma_wait3A_516 = arith.constant 0 : i32
      %dma_wait3A_517 = tpu.memref_slice %arg2[%dma_wait3A_515, %dma_wait3A_516] : memref<2600000x32xf32, #tpu.memory_space<hbm>> -> memref<2600000x32xf32, #tpu.memory_space<hbm>>
      tpu.wait_indirect_dma semaphore(%arg9 : memref<!tpu.dma_semaphore, #tpu.memory_space<semaphore_mem>>) src(%dma_wait3A_517 : memref<2600000x32xf32, #tpu.memory_space<hbm>>) dst(%dma_wait3A_511 : memref<128x32xf32, #tpu.memory_space<vmem>>)
      %add3A_518 = arith.constant 1 : i32
      %add3A_519 = arith.addi %mul3A_188, %add3A_518 : i32
      %mul3A_520 = arith.constant 13 : i32
      %mul3A_521 = arith.muli %add3A, %mul3A_520 : i32
      %add3A_522 = arith.addi %mul3A_521, %add3A_519 : i32
      "tpu.region"() ({
        %run_scoped3A = tpu.sem_alloc : memref<!tpu.dma_semaphore, #tpu.memory_space<semaphore_mem>>
        %dma_start3A_523 = arith.constant 0 : i32
        %dma_start3A_524 = arith.constant 0 : i32
        %dma_start3A_525 = tpu.memref_slice %arg4[%add3A_522, %dma_start3A_523, %dma_start3A_524] : memref<416x1024x32xf32, #tpu.memory_space<hbm>> -> memref<1x1024x32xf32, #tpu.memory_space<hbm>>
        %dma_start3A_526 = tpu.memref_squeeze %dma_start3A_525 : memref<1x1024x32xf32, #tpu.memory_space<hbm>> -> memref<1024x32xf32, #tpu.memory_space<hbm>>
        %dma_start3A_527 = arith.constant 0 : i32
        %dma_start3A_528 = arith.constant 0 : i32
        %dma_start3A_529 = tpu.memref_slice %arg4[%add3A_522, %dma_start3A_527, %dma_start3A_528] : memref<416x1024x32xf32, #tpu.memory_space<hbm>> -> memref<1x1024x32xf32, #tpu.memory_space<hbm>>
        %dma_start3A_530 = tpu.memref_squeeze %dma_start3A_529 : memref<1x1024x32xf32, #tpu.memory_space<hbm>> -> memref<1024x32xf32, #tpu.memory_space<hbm>>
        tpu.enqueue_dma source(%arg7 : memref<1024x32xf32, #tpu.memory_space<vmem>>) target(%dma_start3A_530 : memref<1024x32xf32, #tpu.memory_space<hbm>>) target_semaphore(%run_scoped3A : memref<!tpu.dma_semaphore, #tpu.memory_space<semaphore_mem>>)
        %dma_wait3A_531 = arith.constant 0 : i32
        %dma_wait3A_532 = arith.constant 0 : i32
        %dma_wait3A_533 = tpu.memref_slice %arg4[%add3A_522, %dma_wait3A_531, %dma_wait3A_532] : memref<416x1024x32xf32, #tpu.memory_space<hbm>> -> memref<1x1024x32xf32, #tpu.memory_space<hbm>>
        %dma_wait3A_534 = tpu.memref_squeeze %dma_wait3A_533 : memref<1x1024x32xf32, #tpu.memory_space<hbm>> -> memref<1024x32xf32, #tpu.memory_space<hbm>>
        %dma_wait3A_535 = arith.constant 0 : i32
        %dma_wait3A_536 = arith.constant 0 : i32
        %dma_wait3A_537 = tpu.memref_slice %arg4[%add3A_522, %dma_wait3A_535, %dma_wait3A_536] : memref<416x1024x32xf32, #tpu.memory_space<hbm>> -> memref<1x1024x32xf32, #tpu.memory_space<hbm>>
        %dma_wait3A_538 = tpu.memref_squeeze %dma_wait3A_537 : memref<1x1024x32xf32, #tpu.memory_space<hbm>> -> memref<1024x32xf32, #tpu.memory_space<hbm>>
        tpu.wait_dma2 semaphore(%run_scoped3A : memref<!tpu.dma_semaphore, #tpu.memory_space<semaphore_mem>>) src(%arg7 : memref<1024x32xf32, #tpu.memory_space<vmem>>) dst(%dma_wait3A_538 : memref<1024x32xf32, #tpu.memory_space<hbm>>)
        tpu.yield
      }) : () -> ()
    }
    %scan3A_94 = arith.constant 6 : i32
    %dma_wait3A = arith.constant 12 : i32
    %dma_wait3A_95 = arith.constant 0 : i32
    %dma_wait3A_96 = arith.constant 0 : i32
    %dma_wait3A_97 = arith.constant 0 : i32
    %dma_wait3A_98 = tpu.memref_slice %arg6[%dma_wait3A_96, %dma_wait3A_97] : memref<1024x32xf32, #tpu.memory_space<vmem>> -> memref<128x32xf32, #tpu.memory_space<vmem>>
    %dma_wait3A_99 = arith.constant 0 : i32
    %dma_wait3A_100 = tpu.memref_slice %arg5[%dma_wait3A, %dma_wait3A_95, %dma_wait3A_99] : memref<13x8x128xi32, #tpu.memory_space<vmem>> -> memref<1x1x128xi32, #tpu.memory_space<vmem>>
    %dma_wait3A_101 = tpu.memref_squeeze %dma_wait3A_100 : memref<1x1x128xi32, #tpu.memory_space<vmem>> -> memref<128xi32, #tpu.memory_space<vmem>>
    %dma_wait3A_102 = arith.constant 0 : i32
    %dma_wait3A_103 = arith.constant 0 : i32
    %dma_wait3A_104 = tpu.memref_slice %arg2[%dma_wait3A_102, %dma_wait3A_103] : memref<2600000x32xf32, #tpu.memory_space<hbm>> -> memref<2600000x32xf32, #tpu.memory_space<hbm>>
    tpu.wait_indirect_dma semaphore(%arg8 : memref<!tpu.dma_semaphore, #tpu.memory_space<semaphore_mem>>) src(%dma_wait3A_104 : memref<2600000x32xf32, #tpu.memory_space<hbm>>) dst(%dma_wait3A_98 : memref<128x32xf32, #tpu.memory_space<vmem>>)
    %dma_wait3A_105 = arith.constant 12 : i32
    %dma_wait3A_106 = arith.constant 1 : i32
    %dma_wait3A_107 = arith.constant 128 : i32
    %dma_wait3A_108 = arith.constant 0 : i32
    %dma_wait3A_109 = tpu.memref_slice %arg6[%dma_wait3A_107, %dma_wait3A_108] : memref<1024x32xf32, #tpu.memory_space<vmem>> -> memref<128x32xf32, #tpu.memory_space<vmem>>
    %dma_wait3A_110 = arith.constant 0 : i32
    %dma_wait3A_111 = tpu.memref_slice %arg5[%dma_wait3A_105, %dma_wait3A_106, %dma_wait3A_110] : memref<13x8x128xi32, #tpu.memory_space<vmem>> -> memref<1x1x128xi32, #tpu.memory_space<vmem>>
    %dma_wait3A_112 = tpu.memref_squeeze %dma_wait3A_111 : memref<1x1x128xi32, #tpu.memory_space<vmem>> -> memref<128xi32, #tpu.memory_space<vmem>>
    %dma_wait3A_113 = arith.constant 0 : i32
    %dma_wait3A_114 = arith.constant 0 : i32
    %dma_wait3A_115 = tpu.memref_slice %arg2[%dma_wait3A_113, %dma_wait3A_114] : memref<2600000x32xf32, #tpu.memory_space<hbm>> -> memref<2600000x32xf32, #tpu.memory_space<hbm>>
    tpu.wait_indirect_dma semaphore(%arg8 : memref<!tpu.dma_semaphore, #tpu.memory_space<semaphore_mem>>) src(%dma_wait3A_115 : memref<2600000x32xf32, #tpu.memory_space<hbm>>) dst(%dma_wait3A_109 : memref<128x32xf32, #tpu.memory_space<vmem>>)
    %dma_wait3A_116 = arith.constant 12 : i32
    %dma_wait3A_117 = arith.constant 2 : i32
    %dma_wait3A_118 = arith.constant 256 : i32
    %dma_wait3A_119 = arith.constant 0 : i32
    %dma_wait3A_120 = tpu.memref_slice %arg6[%dma_wait3A_118, %dma_wait3A_119] : memref<1024x32xf32, #tpu.memory_space<vmem>> -> memref<128x32xf32, #tpu.memory_space<vmem>>
    %dma_wait3A_121 = arith.constant 0 : i32
    %dma_wait3A_122 = tpu.memref_slice %arg5[%dma_wait3A_116, %dma_wait3A_117, %dma_wait3A_121] : memref<13x8x128xi32, #tpu.memory_space<vmem>> -> memref<1x1x128xi32, #tpu.memory_space<vmem>>
    %dma_wait3A_123 = tpu.memref_squeeze %dma_wait3A_122 : memref<1x1x128xi32, #tpu.memory_space<vmem>> -> memref<128xi32, #tpu.memory_space<vmem>>
    %dma_wait3A_124 = arith.constant 0 : i32
    %dma_wait3A_125 = arith.constant 0 : i32
    %dma_wait3A_126 = tpu.memref_slice %arg2[%dma_wait3A_124, %dma_wait3A_125] : memref<2600000x32xf32, #tpu.memory_space<hbm>> -> memref<2600000x32xf32, #tpu.memory_space<hbm>>
    tpu.wait_indirect_dma semaphore(%arg8 : memref<!tpu.dma_semaphore, #tpu.memory_space<semaphore_mem>>) src(%dma_wait3A_126 : memref<2600000x32xf32, #tpu.memory_space<hbm>>) dst(%dma_wait3A_120 : memref<128x32xf32, #tpu.memory_space<vmem>>)
    %dma_wait3A_127 = arith.constant 12 : i32
    %dma_wait3A_128 = arith.constant 3 : i32
    %dma_wait3A_129 = arith.constant 384 : i32
    %dma_wait3A_130 = arith.constant 0 : i32
    %dma_wait3A_131 = tpu.memref_slice %arg6[%dma_wait3A_129, %dma_wait3A_130] : memref<1024x32xf32, #tpu.memory_space<vmem>> -> memref<128x32xf32, #tpu.memory_space<vmem>>
    %dma_wait3A_132 = arith.constant 0 : i32
    %dma_wait3A_133 = tpu.memref_slice %arg5[%dma_wait3A_127, %dma_wait3A_128, %dma_wait3A_132] : memref<13x8x128xi32, #tpu.memory_space<vmem>> -> memref<1x1x128xi32, #tpu.memory_space<vmem>>
    %dma_wait3A_134 = tpu.memref_squeeze %dma_wait3A_133 : memref<1x1x128xi32, #tpu.memory_space<vmem>> -> memref<128xi32, #tpu.memory_space<vmem>>
    %dma_wait3A_135 = arith.constant 0 : i32
    %dma_wait3A_136 = arith.constant 0 : i32
    %dma_wait3A_137 = tpu.memref_slice %arg2[%dma_wait3A_135, %dma_wait3A_136] : memref<2600000x32xf32, #tpu.memory_space<hbm>> -> memref<2600000x32xf32, #tpu.memory_space<hbm>>
    tpu.wait_indirect_dma semaphore(%arg8 : memref<!tpu.dma_semaphore, #tpu.memory_space<semaphore_mem>>) src(%dma_wait3A_137 : memref<2600000x32xf32, #tpu.memory_space<hbm>>) dst(%dma_wait3A_131 : memref<128x32xf32, #tpu.memory_space<vmem>>)
    %dma_wait3A_138 = arith.constant 12 : i32
    %dma_wait3A_139 = arith.constant 4 : i32
    %dma_wait3A_140 = arith.constant 512 : i32
    %dma_wait3A_141 = arith.constant 0 : i32
    %dma_wait3A_142 = tpu.memref_slice %arg6[%dma_wait3A_140, %dma_wait3A_141] : memref<1024x32xf32, #tpu.memory_space<vmem>> -> memref<128x32xf32, #tpu.memory_space<vmem>>
    %dma_wait3A_143 = arith.constant 0 : i32
    %dma_wait3A_144 = tpu.memref_slice %arg5[%dma_wait3A_138, %dma_wait3A_139, %dma_wait3A_143] : memref<13x8x128xi32, #tpu.memory_space<vmem>> -> memref<1x1x128xi32, #tpu.memory_space<vmem>>
    %dma_wait3A_145 = tpu.memref_squeeze %dma_wait3A_144 : memref<1x1x128xi32, #tpu.memory_space<vmem>> -> memref<128xi32, #tpu.memory_space<vmem>>
    %dma_wait3A_146 = arith.constant 0 : i32
    %dma_wait3A_147 = arith.constant 0 : i32
    %dma_wait3A_148 = tpu.memref_slice %arg2[%dma_wait3A_146, %dma_wait3A_147] : memref<2600000x32xf32, #tpu.memory_space<hbm>> -> memref<2600000x32xf32, #tpu.memory_space<hbm>>
    tpu.wait_indirect_dma semaphore(%arg8 : memref<!tpu.dma_semaphore, #tpu.memory_space<semaphore_mem>>) src(%dma_wait3A_148 : memref<2600000x32xf32, #tpu.memory_space<hbm>>) dst(%dma_wait3A_142 : memref<128x32xf32, #tpu.memory_space<vmem>>)
    %dma_wait3A_149 = arith.constant 12 : i32
    %dma_wait3A_150 = arith.constant 5 : i32
    %dma_wait3A_151 = arith.constant 640 : i32
    %dma_wait3A_152 = arith.constant 0 : i32
    %dma_wait3A_153 = tpu.memref_slice %arg6[%dma_wait3A_151, %dma_wait3A_152] : memref<1024x32xf32, #tpu.memory_space<vmem>> -> memref<128x32xf32, #tpu.memory_space<vmem>>
    %dma_wait3A_154 = arith.constant 0 : i32
    %dma_wait3A_155 = tpu.memref_slice %arg5[%dma_wait3A_149, %dma_wait3A_150, %dma_wait3A_154] : memref<13x8x128xi32, #tpu.memory_space<vmem>> -> memref<1x1x128xi32, #tpu.memory_space<vmem>>
    %dma_wait3A_156 = tpu.memref_squeeze %dma_wait3A_155 : memref<1x1x128xi32, #tpu.memory_space<vmem>> -> memref<128xi32, #tpu.memory_space<vmem>>
    %dma_wait3A_157 = arith.constant 0 : i32
    %dma_wait3A_158 = arith.constant 0 : i32
    %dma_wait3A_159 = tpu.memref_slice %arg2[%dma_wait3A_157, %dma_wait3A_158] : memref<2600000x32xf32, #tpu.memory_space<hbm>> -> memref<2600000x32xf32, #tpu.memory_space<hbm>>
    tpu.wait_indirect_dma semaphore(%arg8 : memref<!tpu.dma_semaphore, #tpu.memory_space<semaphore_mem>>) src(%dma_wait3A_159 : memref<2600000x32xf32, #tpu.memory_space<hbm>>) dst(%dma_wait3A_153 : memref<128x32xf32, #tpu.memory_space<vmem>>)
    %dma_wait3A_160 = arith.constant 12 : i32
    %dma_wait3A_161 = arith.constant 6 : i32
    %dma_wait3A_162 = arith.constant 768 : i32
    %dma_wait3A_163 = arith.constant 0 : i32
    %dma_wait3A_164 = tpu.memref_slice %arg6[%dma_wait3A_162, %dma_wait3A_163] : memref<1024x32xf32, #tpu.memory_space<vmem>> -> memref<128x32xf32, #tpu.memory_space<vmem>>
    %dma_wait3A_165 = arith.constant 0 : i32
    %dma_wait3A_166 = tpu.memref_slice %arg5[%dma_wait3A_160, %dma_wait3A_161, %dma_wait3A_165] : memref<13x8x128xi32, #tpu.memory_space<vmem>> -> memref<1x1x128xi32, #tpu.memory_space<vmem>>
    %dma_wait3A_167 = tpu.memref_squeeze %dma_wait3A_166 : memref<1x1x128xi32, #tpu.memory_space<vmem>> -> memref<128xi32, #tpu.memory_space<vmem>>
    %dma_wait3A_168 = arith.constant 0 : i32
    %dma_wait3A_169 = arith.constant 0 : i32
    %dma_wait3A_170 = tpu.memref_slice %arg2[%dma_wait3A_168, %dma_wait3A_169] : memref<2600000x32xf32, #tpu.memory_space<hbm>> -> memref<2600000x32xf32, #tpu.memory_space<hbm>>
    tpu.wait_indirect_dma semaphore(%arg8 : memref<!tpu.dma_semaphore, #tpu.memory_space<semaphore_mem>>) src(%dma_wait3A_170 : memref<2600000x32xf32, #tpu.memory_space<hbm>>) dst(%dma_wait3A_164 : memref<128x32xf32, #tpu.memory_space<vmem>>)
    %dma_wait3A_171 = arith.constant 12 : i32
    %dma_wait3A_172 = arith.constant 7 : i32
    %dma_wait3A_173 = arith.constant 896 : i32
    %dma_wait3A_174 = arith.constant 0 : i32
    %dma_wait3A_175 = tpu.memref_slice %arg6[%dma_wait3A_173, %dma_wait3A_174] : memref<1024x32xf32, #tpu.memory_space<vmem>> -> memref<128x32xf32, #tpu.memory_space<vmem>>
    %dma_wait3A_176 = arith.constant 0 : i32
    %dma_wait3A_177 = tpu.memref_slice %arg5[%dma_wait3A_171, %dma_wait3A_172, %dma_wait3A_176] : memref<13x8x128xi32, #tpu.memory_space<vmem>> -> memref<1x1x128xi32, #tpu.memory_space<vmem>>
    %dma_wait3A_178 = tpu.memref_squeeze %dma_wait3A_177 : memref<1x1x128xi32, #tpu.memory_space<vmem>> -> memref<128xi32, #tpu.memory_space<vmem>>
    %dma_wait3A_179 = arith.constant 0 : i32
    %dma_wait3A_180 = arith.constant 0 : i32
    %dma_wait3A_181 = tpu.memref_slice %arg2[%dma_wait3A_179, %dma_wait3A_180] : memref<2600000x32xf32, #tpu.memory_space<hbm>> -> memref<2600000x32xf32, #tpu.memory_space<hbm>>
    tpu.wait_indirect_dma semaphore(%arg8 : memref<!tpu.dma_semaphore, #tpu.memory_space<semaphore_mem>>) src(%dma_wait3A_181 : memref<2600000x32xf32, #tpu.memory_space<hbm>>) dst(%dma_wait3A_175 : memref<128x32xf32, #tpu.memory_space<vmem>>)
    %mul3A_182 = arith.constant 13 : i32
    %mul3A_183 = arith.muli %add3A, %mul3A_182 : i32
    %add3A_184 = arith.constant 12 : i32
    %add3A_185 = arith.addi %mul3A_183, %add3A_184 : i32
    "tpu.region"() ({
      %run_scoped3A = tpu.sem_alloc : memref<!tpu.dma_semaphore, #tpu.memory_space<semaphore_mem>>
      %dma_start3A_186 = arith.constant 0 : i32
      %dma_start3A_187 = arith.constant 0 : i32
      %dma_start3A_188 = tpu.memref_slice %arg4[%add3A_185, %dma_start3A_186, %dma_start3A_187] : memref<416x1024x32xf32, #tpu.memory_space<hbm>> -> memref<1x1024x32xf32, #tpu.memory_space<hbm>>
      %dma_start3A_189 = tpu.memref_squeeze %dma_start3A_188 : memref<1x1024x32xf32, #tpu.memory_space<hbm>> -> memref<1024x32xf32, #tpu.memory_space<hbm>>
      %dma_start3A_190 = arith.constant 0 : i32
      %dma_start3A_191 = arith.constant 0 : i32
      %dma_start3A_192 = tpu.memref_slice %arg4[%add3A_185, %dma_start3A_190, %dma_start3A_191] : memref<416x1024x32xf32, #tpu.memory_space<hbm>> -> memref<1x1024x32xf32, #tpu.memory_space<hbm>>
      %dma_start3A_193 = tpu.memref_squeeze %dma_start3A_192 : memref<1x1024x32xf32, #tpu.memory_space<hbm>> -> memref<1024x32xf32, #tpu.memory_space<hbm>>
      tpu.enqueue_dma source(%arg6 : memref<1024x32xf32, #tpu.memory_space<vmem>>) target(%dma_start3A_193 : memref<1024x32xf32, #tpu.memory_space<hbm>>) target_semaphore(%run_scoped3A : memref<!tpu.dma_semaphore, #tpu.memory_space<semaphore_mem>>)
      %dma_wait3A_194 = arith.constant 0 : i32
      %dma_wait3A_195 = arith.constant 0 : i32
      %dma_wait3A_196 = tpu.memref_slice %arg4[%add3A_185, %dma_wait3A_194, %dma_wait3A_195] : memref<416x1024x32xf32, #tpu.memory_space<hbm>> -> memref<1x1024x32xf32, #tpu.memory_space<hbm>>
      %dma_wait3A_197 = tpu.memref_squeeze %dma_wait3A_196 : memref<1x1024x32xf32, #tpu.memory_space<hbm>> -> memref<1024x32xf32, #tpu.memory_space<hbm>>
      %dma_wait3A_198 = arith.constant 0 : i32
      %dma_wait3A_199 = arith.constant 0 : i32
      %dma_wait3A_200 = tpu.memref_slice %arg4[%add3A_185, %dma_wait3A_198, %dma_wait3A_199] : memref<416x1024x32xf32, #tpu.memory_space<hbm>> -> memref<1x1024x32xf32, #tpu.memory_space<hbm>>
      %dma_wait3A_201 = tpu.memref_squeeze %dma_wait3A_200 : memref<1x1024x32xf32, #tpu.memory_space<hbm>> -> memref<1024x32xf32, #tpu.memory_space<hbm>>
      tpu.wait_dma2 semaphore(%run_scoped3A : memref<!tpu.dma_semaphore, #tpu.memory_space<semaphore_mem>>) src(%arg6 : memref<1024x32xf32, #tpu.memory_space<vmem>>) dst(%dma_wait3A_201 : memref<1024x32xf32, #tpu.memory_space<hbm>>)
      tpu.yield
    }) : () -> ()
    return
  }
}

module attributes {stable_mosaic.version = 14 : i64} {
  func.func @_bn_body(%arg0: memref<13x16384xf32, #tpu.memory_space<vmem>>, %arg1: memref<13x1xf32, #tpu.memory_space<vmem>>, %arg2: memref<13x1xf32, #tpu.memory_space<vmem>>, %arg3: memref<13x16384xf32, #tpu.memory_space<vmem>>) attributes {dimension_semantics = [], scalar_prefetch = 0 : i64, scratch_operands = 0 : i64, tpu.core_type = #tpu.core_type<tc>} {
    %get3A = arith.constant 0 : index
    %get3A_0 = arith.constant 0 : index
    %get3A_1 = vector.load %arg0[%get3A, %get3A_0] : memref<13x16384xf32, #tpu.memory_space<vmem>>, vector<13x16384xf32>
    %reduce_sum3A = arith.constant dense<0.000000e+00> : vector<13xf32>
    %reduce_sum3A_2 = vector.multi_reduction <add>, %get3A_1, %reduce_sum3A [1] : vector<13x16384xf32> to vector<13xf32>
    %broadcast_in_dim3A = vector.shape_cast %reduce_sum3A_2 : vector<13xf32> to vector<13x1xf32>
    %div3A = arith.constant 1.638400e+04 : f32
    %div3A_3 = vector.broadcast %div3A : f32 to vector<13x1xf32>
    %div3A_4 = arith.divf %broadcast_in_dim3A, %div3A_3 : vector<13x1xf32>
    %sub3A = vector.broadcast %div3A_4 : vector<13x1xf32> to vector<13x16384xf32>
    %sub3A_5 = arith.subf %get3A_1, %sub3A : vector<13x16384xf32>
    %mul3A = arith.mulf %sub3A_5, %sub3A_5 : vector<13x16384xf32>
    %reduce_sum3A_6 = arith.constant dense<0.000000e+00> : vector<13xf32>
    %reduce_sum3A_7 = vector.multi_reduction <add>, %mul3A, %reduce_sum3A_6 [1] : vector<13x16384xf32> to vector<13xf32>
    %broadcast_in_dim3A_8 = vector.shape_cast %reduce_sum3A_7 : vector<13xf32> to vector<13x1xf32>
    %div3A_9 = arith.constant 1.638400e+04 : f32
    %div3A_10 = vector.broadcast %div3A_9 : f32 to vector<13x1xf32>
    %div3A_11 = arith.divf %broadcast_in_dim3A_8, %div3A_10 : vector<13x1xf32>
    %add3A = arith.constant 9.99999974E-6 : f32
    %add3A_12 = vector.broadcast %add3A : f32 to vector<13x1xf32>
    %add3A_13 = arith.addf %div3A_11, %add3A_12 : vector<13x1xf32>
    %rsqrt3A = math.rsqrt %add3A_13 : vector<13x1xf32>
    %mul3A_14 = vector.broadcast %rsqrt3A : vector<13x1xf32> to vector<13x16384xf32>
    %mul3A_15 = arith.mulf %sub3A_5, %mul3A_14 : vector<13x16384xf32>
    %get3A_16 = arith.constant 0 : index
    %get3A_17 = arith.constant 0 : index
    %get3A_18 = vector.load %arg1[%get3A_16, %get3A_17] : memref<13x1xf32, #tpu.memory_space<vmem>>, vector<13x1xf32>
    %mul3A_19 = vector.broadcast %get3A_18 : vector<13x1xf32> to vector<13x16384xf32>
    %mul3A_20 = arith.mulf %mul3A_15, %mul3A_19 : vector<13x16384xf32>
    %get3A_21 = arith.constant 0 : index
    %get3A_22 = arith.constant 0 : index
    %get3A_23 = vector.load %arg2[%get3A_21, %get3A_22] : memref<13x1xf32, #tpu.memory_space<vmem>>, vector<13x1xf32>
    %add3A_24 = vector.broadcast %get3A_23 : vector<13x1xf32> to vector<13x16384xf32>
    %add3A_25 = arith.addf %mul3A_20, %add3A_24 : vector<13x16384xf32>
    %swap3A = arith.constant 0 : index
    %swap3A_26 = arith.constant 0 : index
    %swap3A_27 = vector.load %arg3[%swap3A, %swap3A_26] : memref<13x16384xf32, #tpu.memory_space<vmem>>, vector<13x16384xf32>
    tpu.vector_store %arg3[%swap3A, %swap3A_26], %add3A_25 {strides = array<i32>} : memref<13x16384xf32, #tpu.memory_space<vmem>>, vector<13x16384xf32>,
    return
  }
}

module attributes {stable_mosaic.version = 14 : i64} {
  func.func @_asm_body(%arg0: i32, %arg1: memref<1x6656x128xf32, #tpu.memory_space<vmem>>, %arg2: memref<13x1024xf32, #tpu.memory_space<vmem>>, %arg3: memref<845x1024xf32, #tpu.memory_space<vmem>>) attributes {dimension_semantics = [#tpu.dimension_semantics<arbitrary>], iteration_bounds = array<i64: 16>, scalar_prefetch = 0 : i64, scratch_operands = 0 : i64, tpu.core_type = #tpu.core_type<tc>, window_params = [{transform_indices = @transform_0, window_bounds = array<i64: 1, 6656, 128>}, {transform_indices = @transform_1, window_bounds = array<i64: 13, 1024>}, {transform_indices = @transform_2, window_bounds = array<i64: 845, 1024>}]} {
    %get3A = arith.constant 0 : index
    %get3A_0 = arith.constant 0 : index
    %get3A_1 = arith.constant 0 : index
    %get3A_2 = vector.load %arg1[%get3A, %get3A_0, %get3A_1] : memref<1x6656x128xf32, #tpu.memory_space<vmem>>, vector<1x256x128xf32>
    %get3A_3 = vector.shape_cast %get3A_2 : vector<1x256x128xf32> to vector<256x128xf32>
    %transpose3A = tpu.transpose %get3A_3, [1, 0] : vector<256x128xf32> -> vector<128x256xf32>
    %slice3A = vector.extract_strided_slice %transpose3A {offsets = [0, 0], sizes = [32, 256], strides = [1, 1]} : vector<128x256xf32> to vector<32x256xf32>
    %swap3A = arith.constant 0 : index
    %swap3A_4 = arith.constant 0 : index
    %swap3A_5 = vector.load %arg3[%swap3A, %swap3A_4] : memref<845x1024xf32, #tpu.memory_space<vmem>>, vector<32x256xf32>
    tpu.vector_store %arg3[%swap3A, %swap3A_4], %slice3A {strides = array<i32>} : memref<845x1024xf32, #tpu.memory_space<vmem>>, vector<32x256xf32>,
    %slice3A_6 = vector.extract_strided_slice %transpose3A {offsets = [32, 0], sizes = [32, 256], strides = [1, 1]} : vector<128x256xf32> to vector<32x256xf32>
    %swap3A_7 = arith.constant 0 : index
    %swap3A_8 = arith.constant 256 : index
    %swap3A_9 = vector.load %arg3[%swap3A_7, %swap3A_8] : memref<845x1024xf32, #tpu.memory_space<vmem>>, vector<32x256xf32>
    tpu.vector_store %arg3[%swap3A_7, %swap3A_8], %slice3A_6 {strides = array<i32>} : memref<845x1024xf32, #tpu.memory_space<vmem>>, vector<32x256xf32>,
    %slice3A_10 = vector.extract_strided_slice %transpose3A {offsets = [64, 0], sizes = [32, 256], strides = [1, 1]} : vector<128x256xf32> to vector<32x256xf32>
    %swap3A_11 = arith.constant 0 : index
    %swap3A_12 = arith.constant 512 : index
    %swap3A_13 = vector.load %arg3[%swap3A_11, %swap3A_12] : memref<845x1024xf32, #tpu.memory_space<vmem>>, vector<32x256xf32>
    tpu.vector_store %arg3[%swap3A_11, %swap3A_12], %slice3A_10 {strides = array<i32>} : memref<845x1024xf32, #tpu.memory_space<vmem>>, vector<32x256xf32>,
    %slice3A_14 = vector.extract_strided_slice %transpose3A {offsets = [96, 0], sizes = [32, 256], strides = [1, 1]} : vector<128x256xf32> to vector<32x256xf32>
    %swap3A_15 = arith.constant 0 : index
    %swap3A_16 = arith.constant 768 : index
    %swap3A_17 = vector.load %arg3[%swap3A_15, %swap3A_16] : memref<845x1024xf32, #tpu.memory_space<vmem>>, vector<32x256xf32>
    tpu.vector_store %arg3[%swap3A_15, %swap3A_16], %slice3A_14 {strides = array<i32>} : memref<845x1024xf32, #tpu.memory_space<vmem>>, vector<32x256xf32>,
    %get3A_18 = arith.constant 0 : index
    %get3A_19 = arith.constant 256 : index
    %get3A_20 = arith.constant 0 : index
    %get3A_21 = vector.load %arg1[%get3A_18, %get3A_19, %get3A_20] : memref<1x6656x128xf32, #tpu.memory_space<vmem>>, vector<1x256x128xf32>
    %get3A_22 = vector.shape_cast %get3A_21 : vector<1x256x128xf32> to vector<256x128xf32>
    %transpose3A_23 = tpu.transpose %get3A_22, [1, 0] : vector<256x128xf32> -> vector<128x256xf32>
    %slice3A_24 = vector.extract_strided_slice %transpose3A_23 {offsets = [0, 0], sizes = [32, 256], strides = [1, 1]} : vector<128x256xf32> to vector<32x256xf32>
    %swap3A_25 = arith.constant 32 : index
    %swap3A_26 = arith.constant 0 : index
    %swap3A_27 = vector.load %arg3[%swap3A_25, %swap3A_26] : memref<845x1024xf32, #tpu.memory_space<vmem>>, vector<32x256xf32>
    tpu.vector_store %arg3[%swap3A_25, %swap3A_26], %slice3A_24 {strides = array<i32>} : memref<845x1024xf32, #tpu.memory_space<vmem>>, vector<32x256xf32>,
    %slice3A_28 = vector.extract_strided_slice %transpose3A_23 {offsets = [32, 0], sizes = [32, 256], strides = [1, 1]} : vector<128x256xf32> to vector<32x256xf32>
    %swap3A_29 = arith.constant 32 : index
    %swap3A_30 = arith.constant 256 : index
    %swap3A_31 = vector.load %arg3[%swap3A_29, %swap3A_30] : memref<845x1024xf32, #tpu.memory_space<vmem>>, vector<32x256xf32>
    tpu.vector_store %arg3[%swap3A_29, %swap3A_30], %slice3A_28 {strides = array<i32>} : memref<845x1024xf32, #tpu.memory_space<vmem>>, vector<32x256xf32>,
    %slice3A_32 = vector.extract_strided_slice %transpose3A_23 {offsets = [64, 0], sizes = [32, 256], strides = [1, 1]} : vector<128x256xf32> to vector<32x256xf32>
    %swap3A_33 = arith.constant 32 : index
    %swap3A_34 = arith.constant 512 : index
    %swap3A_35 = vector.load %arg3[%swap3A_33, %swap3A_34] : memref<845x1024xf32, #tpu.memory_space<vmem>>, vector<32x256xf32>
    tpu.vector_store %arg3[%swap3A_33, %swap3A_34], %slice3A_32 {strides = array<i32>} : memref<845x1024xf32, #tpu.memory_space<vmem>>, vector<32x256xf32>,
    %slice3A_36 = vector.extract_strided_slice %transpose3A_23 {offsets = [96, 0], sizes = [32, 256], strides = [1, 1]} : vector<128x256xf32> to vector<32x256xf32>
    %swap3A_37 = arith.constant 32 : index
    %swap3A_38 = arith.constant 768 : index
    %swap3A_39 = vector.load %arg3[%swap3A_37, %swap3A_38] : memref<845x1024xf32, #tpu.memory_space<vmem>>, vector<32x256xf32>
    tpu.vector_store %arg3[%swap3A_37, %swap3A_38], %slice3A_36 {strides = array<i32>} : memref<845x1024xf32, #tpu.memory_space<vmem>>, vector<32x256xf32>,
    %get3A_40 = arith.constant 0 : index
    %get3A_41 = arith.constant 512 : index
    %get3A_42 = arith.constant 0 : index
    %get3A_43 = vector.load %arg1[%get3A_40, %get3A_41, %get3A_42] : memref<1x6656x128xf32, #tpu.memory_space<vmem>>, vector<1x256x128xf32>
    %get3A_44 = vector.shape_cast %get3A_43 : vector<1x256x128xf32> to vector<256x128xf32>
    %transpose3A_45 = tpu.transpose %get3A_44, [1, 0] : vector<256x128xf32> -> vector<128x256xf32>
    %slice3A_46 = vector.extract_strided_slice %transpose3A_45 {offsets = [0, 0], sizes = [32, 256], strides = [1, 1]} : vector<128x256xf32> to vector<32x256xf32>
    %swap3A_47 = arith.constant 64 : index
    %swap3A_48 = arith.constant 0 : index
    %swap3A_49 = vector.load %arg3[%swap3A_47, %swap3A_48] : memref<845x1024xf32, #tpu.memory_space<vmem>>, vector<32x256xf32>
    tpu.vector_store %arg3[%swap3A_47, %swap3A_48], %slice3A_46 {strides = array<i32>} : memref<845x1024xf32, #tpu.memory_space<vmem>>, vector<32x256xf32>,
    %slice3A_50 = vector.extract_strided_slice %transpose3A_45 {offsets = [32, 0], sizes = [32, 256], strides = [1, 1]} : vector<128x256xf32> to vector<32x256xf32>
    %swap3A_51 = arith.constant 64 : index
    %swap3A_52 = arith.constant 256 : index
    %swap3A_53 = vector.load %arg3[%swap3A_51, %swap3A_52] : memref<845x1024xf32, #tpu.memory_space<vmem>>, vector<32x256xf32>
    tpu.vector_store %arg3[%swap3A_51, %swap3A_52], %slice3A_50 {strides = array<i32>} : memref<845x1024xf32, #tpu.memory_space<vmem>>, vector<32x256xf32>,
    %slice3A_54 = vector.extract_strided_slice %transpose3A_45 {offsets = [64, 0], sizes = [32, 256], strides = [1, 1]} : vector<128x256xf32> to vector<32x256xf32>
    %swap3A_55 = arith.constant 64 : index
    %swap3A_56 = arith.constant 512 : index
    %swap3A_57 = vector.load %arg3[%swap3A_55, %swap3A_56] : memref<845x1024xf32, #tpu.memory_space<vmem>>, vector<32x256xf32>
    tpu.vector_store %arg3[%swap3A_55, %swap3A_56], %slice3A_54 {strides = array<i32>} : memref<845x1024xf32, #tpu.memory_space<vmem>>, vector<32x256xf32>,
    %slice3A_58 = vector.extract_strided_slice %transpose3A_45 {offsets = [96, 0], sizes = [32, 256], strides = [1, 1]} : vector<128x256xf32> to vector<32x256xf32>
    %swap3A_59 = arith.constant 64 : index
    %swap3A_60 = arith.constant 768 : index
    %swap3A_61 = vector.load %arg3[%swap3A_59, %swap3A_60] : memref<845x1024xf32, #tpu.memory_space<vmem>>, vector<32x256xf32>
    tpu.vector_store %arg3[%swap3A_59, %swap3A_60], %slice3A_58 {strides = array<i32>} : memref<845x1024xf32, #tpu.memory_space<vmem>>, vector<32x256xf32>,
    %get3A_62 = arith.constant 0 : index
    %get3A_63 = arith.constant 768 : index
    %get3A_64 = arith.constant 0 : index
    %get3A_65 = vector.load %arg1[%get3A_62, %get3A_63, %get3A_64] : memref<1x6656x128xf32, #tpu.memory_space<vmem>>, vector<1x256x128xf32>
    %get3A_66 = vector.shape_cast %get3A_65 : vector<1x256x128xf32> to vector<256x128xf32>
    %transpose3A_67 = tpu.transpose %get3A_66, [1, 0] : vector<256x128xf32> -> vector<128x256xf32>
    %slice3A_68 = vector.extract_strided_slice %transpose3A_67 {offsets = [0, 0], sizes = [32, 256], strides = [1, 1]} : vector<128x256xf32> to vector<32x256xf32>
    %swap3A_69 = arith.constant 96 : index
    %swap3A_70 = arith.constant 0 : index
    %swap3A_71 = vector.load %arg3[%swap3A_69, %swap3A_70] : memref<845x1024xf32, #tpu.memory_space<vmem>>, vector<32x256xf32>
    tpu.vector_store %arg3[%swap3A_69, %swap3A_70], %slice3A_68 {strides = array<i32>} : memref<845x1024xf32, #tpu.memory_space<vmem>>, vector<32x256xf32>,
    %slice3A_72 = vector.extract_strided_slice %transpose3A_67 {offsets = [32, 0], sizes = [32, 256], strides = [1, 1]} : vector<128x256xf32> to vector<32x256xf32>
    %swap3A_73 = arith.constant 96 : index
    %swap3A_74 = arith.constant 256 : index
    %swap3A_75 = vector.load %arg3[%swap3A_73, %swap3A_74] : memref<845x1024xf32, #tpu.memory_space<vmem>>, vector<32x256xf32>
    tpu.vector_store %arg3[%swap3A_73, %swap3A_74], %slice3A_72 {strides = array<i32>} : memref<845x1024xf32, #tpu.memory_space<vmem>>, vector<32x256xf32>,
    %slice3A_76 = vector.extract_strided_slice %transpose3A_67 {offsets = [64, 0], sizes = [32, 256], strides = [1, 1]} : vector<128x256xf32> to vector<32x256xf32>
    %swap3A_77 = arith.constant 96 : index
    %swap3A_78 = arith.constant 512 : index
    %swap3A_79 = vector.load %arg3[%swap3A_77, %swap3A_78] : memref<845x1024xf32, #tpu.memory_space<vmem>>, vector<32x256xf32>
    tpu.vector_store %arg3[%swap3A_77, %swap3A_78], %slice3A_76 {strides = array<i32>} : memref<845x1024xf32, #tpu.memory_space<vmem>>, vector<32x256xf32>,
    %slice3A_80 = vector.extract_strided_slice %transpose3A_67 {offsets = [96, 0], sizes = [32, 256], strides = [1, 1]} : vector<128x256xf32> to vector<32x256xf32>
    %swap3A_81 = arith.constant 96 : index
    %swap3A_82 = arith.constant 768 : index
    %swap3A_83 = vector.load %arg3[%swap3A_81, %swap3A_82] : memref<845x1024xf32, #tpu.memory_space<vmem>>, vector<32x256xf32>
    tpu.vector_store %arg3[%swap3A_81, %swap3A_82], %slice3A_80 {strides = array<i32>} : memref<845x1024xf32, #tpu.memory_space<vmem>>, vector<32x256xf32>,
    %get3A_84 = arith.constant 0 : index
    %get3A_85 = arith.constant 1024 : index
    %get3A_86 = arith.constant 0 : index
    %get3A_87 = vector.load %arg1[%get3A_84, %get3A_85, %get3A_86] : memref<1x6656x128xf32, #tpu.memory_space<vmem>>, vector<1x256x128xf32>
    %get3A_88 = vector.shape_cast %get3A_87 : vector<1x256x128xf32> to vector<256x128xf32>
    %transpose3A_89 = tpu.transpose %get3A_88, [1, 0] : vector<256x128xf32> -> vector<128x256xf32>
    %slice3A_90 = vector.extract_strided_slice %transpose3A_89 {offsets = [0, 0], sizes = [32, 256], strides = [1, 1]} : vector<128x256xf32> to vector<32x256xf32>
    %swap3A_91 = arith.constant 128 : index
    %swap3A_92 = arith.constant 0 : index
    %swap3A_93 = vector.load %arg3[%swap3A_91, %swap3A_92] : memref<845x1024xf32, #tpu.memory_space<vmem>>, vector<32x256xf32>
    tpu.vector_store %arg3[%swap3A_91, %swap3A_92], %slice3A_90 {strides = array<i32>} : memref<845x1024xf32, #tpu.memory_space<vmem>>, vector<32x256xf32>,
    %slice3A_94 = vector.extract_strided_slice %transpose3A_89 {offsets = [32, 0], sizes = [32, 256], strides = [1, 1]} : vector<128x256xf32> to vector<32x256xf32>
    %swap3A_95 = arith.constant 128 : index
    %swap3A_96 = arith.constant 256 : index
    %swap3A_97 = vector.load %arg3[%swap3A_95, %swap3A_96] : memref<845x1024xf32, #tpu.memory_space<vmem>>, vector<32x256xf32>
    tpu.vector_store %arg3[%swap3A_95, %swap3A_96], %slice3A_94 {strides = array<i32>} : memref<845x1024xf32, #tpu.memory_space<vmem>>, vector<32x256xf32>,
    %slice3A_98 = vector.extract_strided_slice %transpose3A_89 {offsets = [64, 0], sizes = [32, 256], strides = [1, 1]} : vector<128x256xf32> to vector<32x256xf32>
    %swap3A_99 = arith.constant 128 : index
    %swap3A_100 = arith.constant 512 : index
    %swap3A_101 = vector.load %arg3[%swap3A_99, %swap3A_100] : memref<845x1024xf32, #tpu.memory_space<vmem>>, vector<32x256xf32>
    tpu.vector_store %arg3[%swap3A_99, %swap3A_100], %slice3A_98 {strides = array<i32>} : memref<845x1024xf32, #tpu.memory_space<vmem>>, vector<32x256xf32>,
    %slice3A_102 = vector.extract_strided_slice %transpose3A_89 {offsets = [96, 0], sizes = [32, 256], strides = [1, 1]} : vector<128x256xf32> to vector<32x256xf32>
    %swap3A_103 = arith.constant 128 : index
    %swap3A_104 = arith.constant 768 : index
    %swap3A_105 = vector.load %arg3[%swap3A_103, %swap3A_104] : memref<845x1024xf32, #tpu.memory_space<vmem>>, vector<32x256xf32>
    tpu.vector_store %arg3[%swap3A_103, %swap3A_104], %slice3A_102 {strides = array<i32>} : memref<845x1024xf32, #tpu.memory_space<vmem>>, vector<32x256xf32>,
    %get3A_106 = arith.constant 0 : index
    %get3A_107 = arith.constant 1280 : index
    %get3A_108 = arith.constant 0 : index
    %get3A_109 = vector.load %arg1[%get3A_106, %get3A_107, %get3A_108] : memref<1x6656x128xf32, #tpu.memory_space<vmem>>, vector<1x256x128xf32>
    %get3A_110 = vector.shape_cast %get3A_109 : vector<1x256x128xf32> to vector<256x128xf32>
    %transpose3A_111 = tpu.transpose %get3A_110, [1, 0] : vector<256x128xf32> -> vector<128x256xf32>
    %slice3A_112 = vector.extract_strided_slice %transpose3A_111 {offsets = [0, 0], sizes = [32, 256], strides = [1, 1]} : vector<128x256xf32> to vector<32x256xf32>
    %swap3A_113 = arith.constant 160 : index
    %swap3A_114 = arith.constant 0 : index
    %swap3A_115 = vector.load %arg3[%swap3A_113, %swap3A_114] : memref<845x1024xf32, #tpu.memory_space<vmem>>, vector<32x256xf32>
    tpu.vector_store %arg3[%swap3A_113, %swap3A_114], %slice3A_112 {strides = array<i32>} : memref<845x1024xf32, #tpu.memory_space<vmem>>, vector<32x256xf32>,
    %slice3A_116 = vector.extract_strided_slice %transpose3A_111 {offsets = [32, 0], sizes = [32, 256], strides = [1, 1]} : vector<128x256xf32> to vector<32x256xf32>
    %swap3A_117 = arith.constant 160 : index
    %swap3A_118 = arith.constant 256 : index
    %swap3A_119 = vector.load %arg3[%swap3A_117, %swap3A_118] : memref<845x1024xf32, #tpu.memory_space<vmem>>, vector<32x256xf32>
    tpu.vector_store %arg3[%swap3A_117, %swap3A_118], %slice3A_116 {strides = array<i32>} : memref<845x1024xf32, #tpu.memory_space<vmem>>, vector<32x256xf32>,
    %slice3A_120 = vector.extract_strided_slice %transpose3A_111 {offsets = [64, 0], sizes = [32, 256], strides = [1, 1]} : vector<128x256xf32> to vector<32x256xf32>
    %swap3A_121 = arith.constant 160 : index
    %swap3A_122 = arith.constant 512 : index
    %swap3A_123 = vector.load %arg3[%swap3A_121, %swap3A_122] : memref<845x1024xf32, #tpu.memory_space<vmem>>, vector<32x256xf32>
    tpu.vector_store %arg3[%swap3A_121, %swap3A_122], %slice3A_120 {strides = array<i32>} : memref<845x1024xf32, #tpu.memory_space<vmem>>, vector<32x256xf32>,
    %slice3A_124 = vector.extract_strided_slice %transpose3A_111 {offsets = [96, 0], sizes = [32, 256], strides = [1, 1]} : vector<128x256xf32> to vector<32x256xf32>
    %swap3A_125 = arith.constant 160 : index
    %swap3A_126 = arith.constant 768 : index
    %swap3A_127 = vector.load %arg3[%swap3A_125, %swap3A_126] : memref<845x1024xf32, #tpu.memory_space<vmem>>, vector<32x256xf32>
    tpu.vector_store %arg3[%swap3A_125, %swap3A_126], %slice3A_124 {strides = array<i32>} : memref<845x1024xf32, #tpu.memory_space<vmem>>, vector<32x256xf32>,
    %get3A_128 = arith.constant 0 : index
    %get3A_129 = arith.constant 1536 : index
    %get3A_130 = arith.constant 0 : index
    %get3A_131 = vector.load %arg1[%get3A_128, %get3A_129, %get3A_130] : memref<1x6656x128xf32, #tpu.memory_space<vmem>>, vector<1x256x128xf32>
    %get3A_132 = vector.shape_cast %get3A_131 : vector<1x256x128xf32> to vector<256x128xf32>
    %transpose3A_133 = tpu.transpose %get3A_132, [1, 0] : vector<256x128xf32> -> vector<128x256xf32>
    %slice3A_134 = vector.extract_strided_slice %transpose3A_133 {offsets = [0, 0], sizes = [32, 256], strides = [1, 1]} : vector<128x256xf32> to vector<32x256xf32>
    %swap3A_135 = arith.constant 192 : index
    %swap3A_136 = arith.constant 0 : index
    %swap3A_137 = vector.load %arg3[%swap3A_135, %swap3A_136] : memref<845x1024xf32, #tpu.memory_space<vmem>>, vector<32x256xf32>
    tpu.vector_store %arg3[%swap3A_135, %swap3A_136], %slice3A_134 {strides = array<i32>} : memref<845x1024xf32, #tpu.memory_space<vmem>>, vector<32x256xf32>,
    %slice3A_138 = vector.extract_strided_slice %transpose3A_133 {offsets = [32, 0], sizes = [32, 256], strides = [1, 1]} : vector<128x256xf32> to vector<32x256xf32>
    %swap3A_139 = arith.constant 192 : index
    %swap3A_140 = arith.constant 256 : index
    %swap3A_141 = vector.load %arg3[%swap3A_139, %swap3A_140] : memref<845x1024xf32, #tpu.memory_space<vmem>>, vector<32x256xf32>
    tpu.vector_store %arg3[%swap3A_139, %swap3A_140], %slice3A_138 {strides = array<i32>} : memref<845x1024xf32, #tpu.memory_space<vmem>>, vector<32x256xf32>,
    %slice3A_142 = vector.extract_strided_slice %transpose3A_133 {offsets = [64, 0], sizes = [32, 256], strides = [1, 1]} : vector<128x256xf32> to vector<32x256xf32>
    %swap3A_143 = arith.constant 192 : index
    %swap3A_144 = arith.constant 512 : index
    %swap3A_145 = vector.load %arg3[%swap3A_143, %swap3A_144] : memref<845x1024xf32, #tpu.memory_space<vmem>>, vector<32x256xf32>
    tpu.vector_store %arg3[%swap3A_143, %swap3A_144], %slice3A_142 {strides = array<i32>} : memref<845x1024xf32, #tpu.memory_space<vmem>>, vector<32x256xf32>,
    %slice3A_146 = vector.extract_strided_slice %transpose3A_133 {offsets = [96, 0], sizes = [32, 256], strides = [1, 1]} : vector<128x256xf32> to vector<32x256xf32>
    %swap3A_147 = arith.constant 192 : index
    %swap3A_148 = arith.constant 768 : index
    %swap3A_149 = vector.load %arg3[%swap3A_147, %swap3A_148] : memref<845x1024xf32, #tpu.memory_space<vmem>>, vector<32x256xf32>
    tpu.vector_store %arg3[%swap3A_147, %swap3A_148], %slice3A_146 {strides = array<i32>} : memref<845x1024xf32, #tpu.memory_space<vmem>>, vector<32x256xf32>,
    %get3A_150 = arith.constant 0 : index
    %get3A_151 = arith.constant 1792 : index
    %get3A_152 = arith.constant 0 : index
    %get3A_153 = vector.load %arg1[%get3A_150, %get3A_151, %get3A_152] : memref<1x6656x128xf32, #tpu.memory_space<vmem>>, vector<1x256x128xf32>
    %get3A_154 = vector.shape_cast %get3A_153 : vector<1x256x128xf32> to vector<256x128xf32>
    %transpose3A_155 = tpu.transpose %get3A_154, [1, 0] : vector<256x128xf32> -> vector<128x256xf32>
    %slice3A_156 = vector.extract_strided_slice %transpose3A_155 {offsets = [0, 0], sizes = [32, 256], strides = [1, 1]} : vector<128x256xf32> to vector<32x256xf32>
    %swap3A_157 = arith.constant 224 : index
    %swap3A_158 = arith.constant 0 : index
    %swap3A_159 = vector.load %arg3[%swap3A_157, %swap3A_158] : memref<845x1024xf32, #tpu.memory_space<vmem>>, vector<32x256xf32>
    tpu.vector_store %arg3[%swap3A_157, %swap3A_158], %slice3A_156 {strides = array<i32>} : memref<845x1024xf32, #tpu.memory_space<vmem>>, vector<32x256xf32>,
    %slice3A_160 = vector.extract_strided_slice %transpose3A_155 {offsets = [32, 0], sizes = [32, 256], strides = [1, 1]} : vector<128x256xf32> to vector<32x256xf32>
    %swap3A_161 = arith.constant 224 : index
    %swap3A_162 = arith.constant 256 : index
    %swap3A_163 = vector.load %arg3[%swap3A_161, %swap3A_162] : memref<845x1024xf32, #tpu.memory_space<vmem>>, vector<32x256xf32>
    tpu.vector_store %arg3[%swap3A_161, %swap3A_162], %slice3A_160 {strides = array<i32>} : memref<845x1024xf32, #tpu.memory_space<vmem>>, vector<32x256xf32>,
    %slice3A_164 = vector.extract_strided_slice %transpose3A_155 {offsets = [64, 0], sizes = [32, 256], strides = [1, 1]} : vector<128x256xf32> to vector<32x256xf32>
    %swap3A_165 = arith.constant 224 : index
    %swap3A_166 = arith.constant 512 : index
    %swap3A_167 = vector.load %arg3[%swap3A_165, %swap3A_166] : memref<845x1024xf32, #tpu.memory_space<vmem>>, vector<32x256xf32>
    tpu.vector_store %arg3[%swap3A_165, %swap3A_166], %slice3A_164 {strides = array<i32>} : memref<845x1024xf32, #tpu.memory_space<vmem>>, vector<32x256xf32>,
    %slice3A_168 = vector.extract_strided_slice %transpose3A_155 {offsets = [96, 0], sizes = [32, 256], strides = [1, 1]} : vector<128x256xf32> to vector<32x256xf32>
    %swap3A_169 = arith.constant 224 : index
    %swap3A_170 = arith.constant 768 : index
    %swap3A_171 = vector.load %arg3[%swap3A_169, %swap3A_170] : memref<845x1024xf32, #tpu.memory_space<vmem>>, vector<32x256xf32>
    tpu.vector_store %arg3[%swap3A_169, %swap3A_170], %slice3A_168 {strides = array<i32>} : memref<845x1024xf32, #tpu.memory_space<vmem>>, vector<32x256xf32>,
    %get3A_172 = arith.constant 0 : index
    %get3A_173 = arith.constant 2048 : index
    %get3A_174 = arith.constant 0 : index
    %get3A_175 = vector.load %arg1[%get3A_172, %get3A_173, %get3A_174] : memref<1x6656x128xf32, #tpu.memory_space<vmem>>, vector<1x256x128xf32>
    %get3A_176 = vector.shape_cast %get3A_175 : vector<1x256x128xf32> to vector<256x128xf32>
    %transpose3A_177 = tpu.transpose %get3A_176, [1, 0] : vector<256x128xf32> -> vector<128x256xf32>
    %slice3A_178 = vector.extract_strided_slice %transpose3A_177 {offsets = [0, 0], sizes = [32, 256], strides = [1, 1]} : vector<128x256xf32> to vector<32x256xf32>
    %swap3A_179 = arith.constant 256 : index
    %swap3A_180 = arith.constant 0 : index
    %swap3A_181 = vector.load %arg3[%swap3A_179, %swap3A_180] : memref<845x1024xf32, #tpu.memory_space<vmem>>, vector<32x256xf32>
    tpu.vector_store %arg3[%swap3A_179, %swap3A_180], %slice3A_178 {strides = array<i32>} : memref<845x1024xf32, #tpu.memory_space<vmem>>, vector<32x256xf32>,
    %slice3A_182 = vector.extract_strided_slice %transpose3A_177 {offsets = [32, 0], sizes = [32, 256], strides = [1, 1]} : vector<128x256xf32> to vector<32x256xf32>
    %swap3A_183 = arith.constant 256 : index
    %swap3A_184 = arith.constant 256 : index
    %swap3A_185 = vector.load %arg3[%swap3A_183, %swap3A_184] : memref<845x1024xf32, #tpu.memory_space<vmem>>, vector<32x256xf32>
    tpu.vector_store %arg3[%swap3A_183, %swap3A_184], %slice3A_182 {strides = array<i32>} : memref<845x1024xf32, #tpu.memory_space<vmem>>, vector<32x256xf32>,
    %slice3A_186 = vector.extract_strided_slice %transpose3A_177 {offsets = [64, 0], sizes = [32, 256], strides = [1, 1]} : vector<128x256xf32> to vector<32x256xf32>
    %swap3A_187 = arith.constant 256 : index
    %swap3A_188 = arith.constant 512 : index
    %swap3A_189 = vector.load %arg3[%swap3A_187, %swap3A_188] : memref<845x1024xf32, #tpu.memory_space<vmem>>, vector<32x256xf32>
    tpu.vector_store %arg3[%swap3A_187, %swap3A_188], %slice3A_186 {strides = array<i32>} : memref<845x1024xf32, #tpu.memory_space<vmem>>, vector<32x256xf32>,
    %slice3A_190 = vector.extract_strided_slice %transpose3A_177 {offsets = [96, 0], sizes = [32, 256], strides = [1, 1]} : vector<128x256xf32> to vector<32x256xf32>
    %swap3A_191 = arith.constant 256 : index
    %swap3A_192 = arith.constant 768 : index
    %swap3A_193 = vector.load %arg3[%swap3A_191, %swap3A_192] : memref<845x1024xf32, #tpu.memory_space<vmem>>, vector<32x256xf32>
    tpu.vector_store %arg3[%swap3A_191, %swap3A_192], %slice3A_190 {strides = array<i32>} : memref<845x1024xf32, #tpu.memory_space<vmem>>, vector<32x256xf32>,
    %get3A_194 = arith.constant 0 : index
    %get3A_195 = arith.constant 2304 : index
    %get3A_196 = arith.constant 0 : index
    %get3A_197 = vector.load %arg1[%get3A_194, %get3A_195, %get3A_196] : memref<1x6656x128xf32, #tpu.memory_space<vmem>>, vector<1x256x128xf32>
    %get3A_198 = vector.shape_cast %get3A_197 : vector<1x256x128xf32> to vector<256x128xf32>
    %transpose3A_199 = tpu.transpose %get3A_198, [1, 0] : vector<256x128xf32> -> vector<128x256xf32>
    %slice3A_200 = vector.extract_strided_slice %transpose3A_199 {offsets = [0, 0], sizes = [32, 256], strides = [1, 1]} : vector<128x256xf32> to vector<32x256xf32>
    %swap3A_201 = arith.constant 288 : index
    %swap3A_202 = arith.constant 0 : index
    %swap3A_203 = vector.load %arg3[%swap3A_201, %swap3A_202] : memref<845x1024xf32, #tpu.memory_space<vmem>>, vector<32x256xf32>
    tpu.vector_store %arg3[%swap3A_201, %swap3A_202], %slice3A_200 {strides = array<i32>} : memref<845x1024xf32, #tpu.memory_space<vmem>>, vector<32x256xf32>,
    %slice3A_204 = vector.extract_strided_slice %transpose3A_199 {offsets = [32, 0], sizes = [32, 256], strides = [1, 1]} : vector<128x256xf32> to vector<32x256xf32>
    %swap3A_205 = arith.constant 288 : index
    %swap3A_206 = arith.constant 256 : index
    %swap3A_207 = vector.load %arg3[%swap3A_205, %swap3A_206] : memref<845x1024xf32, #tpu.memory_space<vmem>>, vector<32x256xf32>
    tpu.vector_store %arg3[%swap3A_205, %swap3A_206], %slice3A_204 {strides = array<i32>} : memref<845x1024xf32, #tpu.memory_space<vmem>>, vector<32x256xf32>,
    %slice3A_208 = vector.extract_strided_slice %transpose3A_199 {offsets = [64, 0], sizes = [32, 256], strides = [1, 1]} : vector<128x256xf32> to vector<32x256xf32>
    %swap3A_209 = arith.constant 288 : index
    %swap3A_210 = arith.constant 512 : index
    %swap3A_211 = vector.load %arg3[%swap3A_209, %swap3A_210] : memref<845x1024xf32, #tpu.memory_space<vmem>>, vector<32x256xf32>
    tpu.vector_store %arg3[%swap3A_209, %swap3A_210], %slice3A_208 {strides = array<i32>} : memref<845x1024xf32, #tpu.memory_space<vmem>>, vector<32x256xf32>,
    %slice3A_212 = vector.extract_strided_slice %transpose3A_199 {offsets = [96, 0], sizes = [32, 256], strides = [1, 1]} : vector<128x256xf32> to vector<32x256xf32>
    %swap3A_213 = arith.constant 288 : index
    %swap3A_214 = arith.constant 768 : index
    %swap3A_215 = vector.load %arg3[%swap3A_213, %swap3A_214] : memref<845x1024xf32, #tpu.memory_space<vmem>>, vector<32x256xf32>
    tpu.vector_store %arg3[%swap3A_213, %swap3A_214], %slice3A_212 {strides = array<i32>} : memref<845x1024xf32, #tpu.memory_space<vmem>>, vector<32x256xf32>,
    %get3A_216 = arith.constant 0 : index
    %get3A_217 = arith.constant 2560 : index
    %get3A_218 = arith.constant 0 : index
    %get3A_219 = vector.load %arg1[%get3A_216, %get3A_217, %get3A_218] : memref<1x6656x128xf32, #tpu.memory_space<vmem>>, vector<1x256x128xf32>
    %get3A_220 = vector.shape_cast %get3A_219 : vector<1x256x128xf32> to vector<256x128xf32>
    %transpose3A_221 = tpu.transpose %get3A_220, [1, 0] : vector<256x128xf32> -> vector<128x256xf32>
    %slice3A_222 = vector.extract_strided_slice %transpose3A_221 {offsets = [0, 0], sizes = [32, 256], strides = [1, 1]} : vector<128x256xf32> to vector<32x256xf32>
    %swap3A_223 = arith.constant 320 : index
    %swap3A_224 = arith.constant 0 : index
    %swap3A_225 = vector.load %arg3[%swap3A_223, %swap3A_224] : memref<845x1024xf32, #tpu.memory_space<vmem>>, vector<32x256xf32>
    tpu.vector_store %arg3[%swap3A_223, %swap3A_224], %slice3A_222 {strides = array<i32>} : memref<845x1024xf32, #tpu.memory_space<vmem>>, vector<32x256xf32>,
    %slice3A_226 = vector.extract_strided_slice %transpose3A_221 {offsets = [32, 0], sizes = [32, 256], strides = [1, 1]} : vector<128x256xf32> to vector<32x256xf32>
    %swap3A_227 = arith.constant 320 : index
    %swap3A_228 = arith.constant 256 : index
    %swap3A_229 = vector.load %arg3[%swap3A_227, %swap3A_228] : memref<845x1024xf32, #tpu.memory_space<vmem>>, vector<32x256xf32>
    tpu.vector_store %arg3[%swap3A_227, %swap3A_228], %slice3A_226 {strides = array<i32>} : memref<845x1024xf32, #tpu.memory_space<vmem>>, vector<32x256xf32>,
    %slice3A_230 = vector.extract_strided_slice %transpose3A_221 {offsets = [64, 0], sizes = [32, 256], strides = [1, 1]} : vector<128x256xf32> to vector<32x256xf32>
    %swap3A_231 = arith.constant 320 : index
    %swap3A_232 = arith.constant 512 : index
    %swap3A_233 = vector.load %arg3[%swap3A_231, %swap3A_232] : memref<845x1024xf32, #tpu.memory_space<vmem>>, vector<32x256xf32>
    tpu.vector_store %arg3[%swap3A_231, %swap3A_232], %slice3A_230 {strides = array<i32>} : memref<845x1024xf32, #tpu.memory_space<vmem>>, vector<32x256xf32>,
    %slice3A_234 = vector.extract_strided_slice %transpose3A_221 {offsets = [96, 0], sizes = [32, 256], strides = [1, 1]} : vector<128x256xf32> to vector<32x256xf32>
    %swap3A_235 = arith.constant 320 : index
    %swap3A_236 = arith.constant 768 : index
    %swap3A_237 = vector.load %arg3[%swap3A_235, %swap3A_236] : memref<845x1024xf32, #tpu.memory_space<vmem>>, vector<32x256xf32>
    tpu.vector_store %arg3[%swap3A_235, %swap3A_236], %slice3A_234 {strides = array<i32>} : memref<845x1024xf32, #tpu.memory_space<vmem>>, vector<32x256xf32>,
    %get3A_238 = arith.constant 0 : index
    %get3A_239 = arith.constant 2816 : index
    %get3A_240 = arith.constant 0 : index
    %get3A_241 = vector.load %arg1[%get3A_238, %get3A_239, %get3A_240] : memref<1x6656x128xf32, #tpu.memory_space<vmem>>, vector<1x256x128xf32>
    %get3A_242 = vector.shape_cast %get3A_241 : vector<1x256x128xf32> to vector<256x128xf32>
    %transpose3A_243 = tpu.transpose %get3A_242, [1, 0] : vector<256x128xf32> -> vector<128x256xf32>
    %slice3A_244 = vector.extract_strided_slice %transpose3A_243 {offsets = [0, 0], sizes = [32, 256], strides = [1, 1]} : vector<128x256xf32> to vector<32x256xf32>
    %swap3A_245 = arith.constant 352 : index
    %swap3A_246 = arith.constant 0 : index
    %swap3A_247 = vector.load %arg3[%swap3A_245, %swap3A_246] : memref<845x1024xf32, #tpu.memory_space<vmem>>, vector<32x256xf32>
    tpu.vector_store %arg3[%swap3A_245, %swap3A_246], %slice3A_244 {strides = array<i32>} : memref<845x1024xf32, #tpu.memory_space<vmem>>, vector<32x256xf32>,
    %slice3A_248 = vector.extract_strided_slice %transpose3A_243 {offsets = [32, 0], sizes = [32, 256], strides = [1, 1]} : vector<128x256xf32> to vector<32x256xf32>
    %swap3A_249 = arith.constant 352 : index
    %swap3A_250 = arith.constant 256 : index
    %swap3A_251 = vector.load %arg3[%swap3A_249, %swap3A_250] : memref<845x1024xf32, #tpu.memory_space<vmem>>, vector<32x256xf32>
    tpu.vector_store %arg3[%swap3A_249, %swap3A_250], %slice3A_248 {strides = array<i32>} : memref<845x1024xf32, #tpu.memory_space<vmem>>, vector<32x256xf32>,
    %slice3A_252 = vector.extract_strided_slice %transpose3A_243 {offsets = [64, 0], sizes = [32, 256], strides = [1, 1]} : vector<128x256xf32> to vector<32x256xf32>
    %swap3A_253 = arith.constant 352 : index
    %swap3A_254 = arith.constant 512 : index
    %swap3A_255 = vector.load %arg3[%swap3A_253, %swap3A_254] : memref<845x1024xf32, #tpu.memory_space<vmem>>, vector<32x256xf32>
    tpu.vector_store %arg3[%swap3A_253, %swap3A_254], %slice3A_252 {strides = array<i32>} : memref<845x1024xf32, #tpu.memory_space<vmem>>, vector<32x256xf32>,
    %slice3A_256 = vector.extract_strided_slice %transpose3A_243 {offsets = [96, 0], sizes = [32, 256], strides = [1, 1]} : vector<128x256xf32> to vector<32x256xf32>
    %swap3A_257 = arith.constant 352 : index
    %swap3A_258 = arith.constant 768 : index
    %swap3A_259 = vector.load %arg3[%swap3A_257, %swap3A_258] : memref<845x1024xf32, #tpu.memory_space<vmem>>, vector<32x256xf32>
    tpu.vector_store %arg3[%swap3A_257, %swap3A_258], %slice3A_256 {strides = array<i32>} : memref<845x1024xf32, #tpu.memory_space<vmem>>, vector<32x256xf32>,
    %get3A_260 = arith.constant 0 : index
    %get3A_261 = arith.constant 3072 : index
    %get3A_262 = arith.constant 0 : index
    %get3A_263 = vector.load %arg1[%get3A_260, %get3A_261, %get3A_262] : memref<1x6656x128xf32, #tpu.memory_space<vmem>>, vector<1x256x128xf32>
    %get3A_264 = vector.shape_cast %get3A_263 : vector<1x256x128xf32> to vector<256x128xf32>
    %transpose3A_265 = tpu.transpose %get3A_264, [1, 0] : vector<256x128xf32> -> vector<128x256xf32>
    %slice3A_266 = vector.extract_strided_slice %transpose3A_265 {offsets = [0, 0], sizes = [32, 256], strides = [1, 1]} : vector<128x256xf32> to vector<32x256xf32>
    %swap3A_267 = arith.constant 384 : index
    %swap3A_268 = arith.constant 0 : index
    %swap3A_269 = vector.load %arg3[%swap3A_267, %swap3A_268] : memref<845x1024xf32, #tpu.memory_space<vmem>>, vector<32x256xf32>
    tpu.vector_store %arg3[%swap3A_267, %swap3A_268], %slice3A_266 {strides = array<i32>} : memref<845x1024xf32, #tpu.memory_space<vmem>>, vector<32x256xf32>,
    %slice3A_270 = vector.extract_strided_slice %transpose3A_265 {offsets = [32, 0], sizes = [32, 256], strides = [1, 1]} : vector<128x256xf32> to vector<32x256xf32>
    %swap3A_271 = arith.constant 384 : index
    %swap3A_272 = arith.constant 256 : index
    %swap3A_273 = vector.load %arg3[%swap3A_271, %swap3A_272] : memref<845x1024xf32, #tpu.memory_space<vmem>>, vector<32x256xf32>
    tpu.vector_store %arg3[%swap3A_271, %swap3A_272], %slice3A_270 {strides = array<i32>} : memref<845x1024xf32, #tpu.memory_space<vmem>>, vector<32x256xf32>,
    %slice3A_274 = vector.extract_strided_slice %transpose3A_265 {offsets = [64, 0], sizes = [32, 256], strides = [1, 1]} : vector<128x256xf32> to vector<32x256xf32>
    %swap3A_275 = arith.constant 384 : index
    %swap3A_276 = arith.constant 512 : index
    %swap3A_277 = vector.load %arg3[%swap3A_275, %swap3A_276] : memref<845x1024xf32, #tpu.memory_space<vmem>>, vector<32x256xf32>
    tpu.vector_store %arg3[%swap3A_275, %swap3A_276], %slice3A_274 {strides = array<i32>} : memref<845x1024xf32, #tpu.memory_space<vmem>>, vector<32x256xf32>,
    %slice3A_278 = vector.extract_strided_slice %transpose3A_265 {offsets = [96, 0], sizes = [32, 256], strides = [1, 1]} : vector<128x256xf32> to vector<32x256xf32>
    %swap3A_279 = arith.constant 384 : index
    %swap3A_280 = arith.constant 768 : index
    %swap3A_281 = vector.load %arg3[%swap3A_279, %swap3A_280] : memref<845x1024xf32, #tpu.memory_space<vmem>>, vector<32x256xf32>
    tpu.vector_store %arg3[%swap3A_279, %swap3A_280], %slice3A_278 {strides = array<i32>} : memref<845x1024xf32, #tpu.memory_space<vmem>>, vector<32x256xf32>,
    %get3A_282 = arith.constant 0 : index
    %get3A_283 = arith.constant 3328 : index
    %get3A_284 = arith.constant 0 : index
    %get3A_285 = vector.load %arg1[%get3A_282, %get3A_283, %get3A_284] : memref<1x6656x128xf32, #tpu.memory_space<vmem>>, vector<1x256x128xf32>
    %get3A_286 = vector.shape_cast %get3A_285 : vector<1x256x128xf32> to vector<256x128xf32>
    %transpose3A_287 = tpu.transpose %get3A_286, [1, 0] : vector<256x128xf32> -> vector<128x256xf32>
    %slice3A_288 = vector.extract_strided_slice %transpose3A_287 {offsets = [0, 0], sizes = [32, 256], strides = [1, 1]} : vector<128x256xf32> to vector<32x256xf32>
    %swap3A_289 = arith.constant 416 : index
    %swap3A_290 = arith.constant 0 : index
    %swap3A_291 = vector.load %arg3[%swap3A_289, %swap3A_290] : memref<845x1024xf32, #tpu.memory_space<vmem>>, vector<32x256xf32>
    tpu.vector_store %arg3[%swap3A_289, %swap3A_290], %slice3A_288 {strides = array<i32>} : memref<845x1024xf32, #tpu.memory_space<vmem>>, vector<32x256xf32>,
    %slice3A_292 = vector.extract_strided_slice %transpose3A_287 {offsets = [32, 0], sizes = [32, 256], strides = [1, 1]} : vector<128x256xf32> to vector<32x256xf32>
    %swap3A_293 = arith.constant 416 : index
    %swap3A_294 = arith.constant 256 : index
    %swap3A_295 = vector.load %arg3[%swap3A_293, %swap3A_294] : memref<845x1024xf32, #tpu.memory_space<vmem>>, vector<32x256xf32>
    tpu.vector_store %arg3[%swap3A_293, %swap3A_294], %slice3A_292 {strides = array<i32>} : memref<845x1024xf32, #tpu.memory_space<vmem>>, vector<32x256xf32>,
    %slice3A_296 = vector.extract_strided_slice %transpose3A_287 {offsets = [64, 0], sizes = [32, 256], strides = [1, 1]} : vector<128x256xf32> to vector<32x256xf32>
    %swap3A_297 = arith.constant 416 : index
    %swap3A_298 = arith.constant 512 : index
    %swap3A_299 = vector.load %arg3[%swap3A_297, %swap3A_298] : memref<845x1024xf32, #tpu.memory_space<vmem>>, vector<32x256xf32>
    tpu.vector_store %arg3[%swap3A_297, %swap3A_298], %slice3A_296 {strides = array<i32>} : memref<845x1024xf32, #tpu.memory_space<vmem>>, vector<32x256xf32>,
    %slice3A_300 = vector.extract_strided_slice %transpose3A_287 {offsets = [96, 0], sizes = [32, 256], strides = [1, 1]} : vector<128x256xf32> to vector<32x256xf32>
    %swap3A_301 = arith.constant 416 : index
    %swap3A_302 = arith.constant 768 : index
    %swap3A_303 = vector.load %arg3[%swap3A_301, %swap3A_302] : memref<845x1024xf32, #tpu.memory_space<vmem>>, vector<32x256xf32>
    tpu.vector_store %arg3[%swap3A_301, %swap3A_302], %slice3A_300 {strides = array<i32>} : memref<845x1024xf32, #tpu.memory_space<vmem>>, vector<32x256xf32>,
    %get3A_304 = arith.constant 0 : index
    %get3A_305 = arith.constant 3584 : index
    %get3A_306 = arith.constant 0 : index
    %get3A_307 = vector.load %arg1[%get3A_304, %get3A_305, %get3A_306] : memref<1x6656x128xf32, #tpu.memory_space<vmem>>, vector<1x256x128xf32>
    %get3A_308 = vector.shape_cast %get3A_307 : vector<1x256x128xf32> to vector<256x128xf32>
    %transpose3A_309 = tpu.transpose %get3A_308, [1, 0] : vector<256x128xf32> -> vector<128x256xf32>
    %slice3A_310 = vector.extract_strided_slice %transpose3A_309 {offsets = [0, 0], sizes = [32, 256], strides = [1, 1]} : vector<128x256xf32> to vector<32x256xf32>
    %swap3A_311 = arith.constant 448 : index
    %swap3A_312 = arith.constant 0 : index
    %swap3A_313 = vector.load %arg3[%swap3A_311, %swap3A_312] : memref<845x1024xf32, #tpu.memory_space<vmem>>, vector<32x256xf32>
    tpu.vector_store %arg3[%swap3A_311, %swap3A_312], %slice3A_310 {strides = array<i32>} : memref<845x1024xf32, #tpu.memory_space<vmem>>, vector<32x256xf32>,
    %slice3A_314 = vector.extract_strided_slice %transpose3A_309 {offsets = [32, 0], sizes = [32, 256], strides = [1, 1]} : vector<128x256xf32> to vector<32x256xf32>
    %swap3A_315 = arith.constant 448 : index
    %swap3A_316 = arith.constant 256 : index
    %swap3A_317 = vector.load %arg3[%swap3A_315, %swap3A_316] : memref<845x1024xf32, #tpu.memory_space<vmem>>, vector<32x256xf32>
    tpu.vector_store %arg3[%swap3A_315, %swap3A_316], %slice3A_314 {strides = array<i32>} : memref<845x1024xf32, #tpu.memory_space<vmem>>, vector<32x256xf32>,
    %slice3A_318 = vector.extract_strided_slice %transpose3A_309 {offsets = [64, 0], sizes = [32, 256], strides = [1, 1]} : vector<128x256xf32> to vector<32x256xf32>
    %swap3A_319 = arith.constant 448 : index
    %swap3A_320 = arith.constant 512 : index
    %swap3A_321 = vector.load %arg3[%swap3A_319, %swap3A_320] : memref<845x1024xf32, #tpu.memory_space<vmem>>, vector<32x256xf32>
    tpu.vector_store %arg3[%swap3A_319, %swap3A_320], %slice3A_318 {strides = array<i32>} : memref<845x1024xf32, #tpu.memory_space<vmem>>, vector<32x256xf32>,
    %slice3A_322 = vector.extract_strided_slice %transpose3A_309 {offsets = [96, 0], sizes = [32, 256], strides = [1, 1]} : vector<128x256xf32> to vector<32x256xf32>
    %swap3A_323 = arith.constant 448 : index
    %swap3A_324 = arith.constant 768 : index
    %swap3A_325 = vector.load %arg3[%swap3A_323, %swap3A_324] : memref<845x1024xf32, #tpu.memory_space<vmem>>, vector<32x256xf32>
    tpu.vector_store %arg3[%swap3A_323, %swap3A_324], %slice3A_322 {strides = array<i32>} : memref<845x1024xf32, #tpu.memory_space<vmem>>, vector<32x256xf32>,
    %get3A_326 = arith.constant 0 : index
    %get3A_327 = arith.constant 3840 : index
    %get3A_328 = arith.constant 0 : index
    %get3A_329 = vector.load %arg1[%get3A_326, %get3A_327, %get3A_328] : memref<1x6656x128xf32, #tpu.memory_space<vmem>>, vector<1x256x128xf32>
    %get3A_330 = vector.shape_cast %get3A_329 : vector<1x256x128xf32> to vector<256x128xf32>
    %transpose3A_331 = tpu.transpose %get3A_330, [1, 0] : vector<256x128xf32> -> vector<128x256xf32>
    %slice3A_332 = vector.extract_strided_slice %transpose3A_331 {offsets = [0, 0], sizes = [32, 256], strides = [1, 1]} : vector<128x256xf32> to vector<32x256xf32>
    %swap3A_333 = arith.constant 480 : index
    %swap3A_334 = arith.constant 0 : index
    %swap3A_335 = vector.load %arg3[%swap3A_333, %swap3A_334] : memref<845x1024xf32, #tpu.memory_space<vmem>>, vector<32x256xf32>
    tpu.vector_store %arg3[%swap3A_333, %swap3A_334], %slice3A_332 {strides = array<i32>} : memref<845x1024xf32, #tpu.memory_space<vmem>>, vector<32x256xf32>,
    %slice3A_336 = vector.extract_strided_slice %transpose3A_331 {offsets = [32, 0], sizes = [32, 256], strides = [1, 1]} : vector<128x256xf32> to vector<32x256xf32>
    %swap3A_337 = arith.constant 480 : index
    %swap3A_338 = arith.constant 256 : index
    %swap3A_339 = vector.load %arg3[%swap3A_337, %swap3A_338] : memref<845x1024xf32, #tpu.memory_space<vmem>>, vector<32x256xf32>
    tpu.vector_store %arg3[%swap3A_337, %swap3A_338], %slice3A_336 {strides = array<i32>} : memref<845x1024xf32, #tpu.memory_space<vmem>>, vector<32x256xf32>,
    %slice3A_340 = vector.extract_strided_slice %transpose3A_331 {offsets = [64, 0], sizes = [32, 256], strides = [1, 1]} : vector<128x256xf32> to vector<32x256xf32>
    %swap3A_341 = arith.constant 480 : index
    %swap3A_342 = arith.constant 512 : index
    %swap3A_343 = vector.load %arg3[%swap3A_341, %swap3A_342] : memref<845x1024xf32, #tpu.memory_space<vmem>>, vector<32x256xf32>
    tpu.vector_store %arg3[%swap3A_341, %swap3A_342], %slice3A_340 {strides = array<i32>} : memref<845x1024xf32, #tpu.memory_space<vmem>>, vector<32x256xf32>,
    %slice3A_344 = vector.extract_strided_slice %transpose3A_331 {offsets = [96, 0], sizes = [32, 256], strides = [1, 1]} : vector<128x256xf32> to vector<32x256xf32>
    %swap3A_345 = arith.constant 480 : index
    %swap3A_346 = arith.constant 768 : index
    %swap3A_347 = vector.load %arg3[%swap3A_345, %swap3A_346] : memref<845x1024xf32, #tpu.memory_space<vmem>>, vector<32x256xf32>
    tpu.vector_store %arg3[%swap3A_345, %swap3A_346], %slice3A_344 {strides = array<i32>} : memref<845x1024xf32, #tpu.memory_space<vmem>>, vector<32x256xf32>,
    %get3A_348 = arith.constant 0 : index
    %get3A_349 = arith.constant 4096 : index
    %get3A_350 = arith.constant 0 : index
    %get3A_351 = vector.load %arg1[%get3A_348, %get3A_349, %get3A_350] : memref<1x6656x128xf32, #tpu.memory_space<vmem>>, vector<1x256x128xf32>
    %get3A_352 = vector.shape_cast %get3A_351 : vector<1x256x128xf32> to vector<256x128xf32>
    %transpose3A_353 = tpu.transpose %get3A_352, [1, 0] : vector<256x128xf32> -> vector<128x256xf32>
    %slice3A_354 = vector.extract_strided_slice %transpose3A_353 {offsets = [0, 0], sizes = [32, 256], strides = [1, 1]} : vector<128x256xf32> to vector<32x256xf32>
    %swap3A_355 = arith.constant 512 : index
    %swap3A_356 = arith.constant 0 : index
    %swap3A_357 = vector.load %arg3[%swap3A_355, %swap3A_356] : memref<845x1024xf32, #tpu.memory_space<vmem>>, vector<32x256xf32>
    tpu.vector_store %arg3[%swap3A_355, %swap3A_356], %slice3A_354 {strides = array<i32>} : memref<845x1024xf32, #tpu.memory_space<vmem>>, vector<32x256xf32>,
    %slice3A_358 = vector.extract_strided_slice %transpose3A_353 {offsets = [32, 0], sizes = [32, 256], strides = [1, 1]} : vector<128x256xf32> to vector<32x256xf32>
    %swap3A_359 = arith.constant 512 : index
    %swap3A_360 = arith.constant 256 : index
    %swap3A_361 = vector.load %arg3[%swap3A_359, %swap3A_360] : memref<845x1024xf32, #tpu.memory_space<vmem>>, vector<32x256xf32>
    tpu.vector_store %arg3[%swap3A_359, %swap3A_360], %slice3A_358 {strides = array<i32>} : memref<845x1024xf32, #tpu.memory_space<vmem>>, vector<32x256xf32>,
    %slice3A_362 = vector.extract_strided_slice %transpose3A_353 {offsets = [64, 0], sizes = [32, 256], strides = [1, 1]} : vector<128x256xf32> to vector<32x256xf32>
    %swap3A_363 = arith.constant 512 : index
    %swap3A_364 = arith.constant 512 : index
    %swap3A_365 = vector.load %arg3[%swap3A_363, %swap3A_364] : memref<845x1024xf32, #tpu.memory_space<vmem>>, vector<32x256xf32>
    tpu.vector_store %arg3[%swap3A_363, %swap3A_364], %slice3A_362 {strides = array<i32>} : memref<845x1024xf32, #tpu.memory_space<vmem>>, vector<32x256xf32>,
    %slice3A_366 = vector.extract_strided_slice %transpose3A_353 {offsets = [96, 0], sizes = [32, 256], strides = [1, 1]} : vector<128x256xf32> to vector<32x256xf32>
    %swap3A_367 = arith.constant 512 : index
    %swap3A_368 = arith.constant 768 : index
    %swap3A_369 = vector.load %arg3[%swap3A_367, %swap3A_368] : memref<845x1024xf32, #tpu.memory_space<vmem>>, vector<32x256xf32>
    tpu.vector_store %arg3[%swap3A_367, %swap3A_368], %slice3A_366 {strides = array<i32>} : memref<845x1024xf32, #tpu.memory_space<vmem>>, vector<32x256xf32>,
    %get3A_370 = arith.constant 0 : index
    %get3A_371 = arith.constant 4352 : index
    %get3A_372 = arith.constant 0 : index
    %get3A_373 = vector.load %arg1[%get3A_370, %get3A_371, %get3A_372] : memref<1x6656x128xf32, #tpu.memory_space<vmem>>, vector<1x256x128xf32>
    %get3A_374 = vector.shape_cast %get3A_373 : vector<1x256x128xf32> to vector<256x128xf32>
    %transpose3A_375 = tpu.transpose %get3A_374, [1, 0] : vector<256x128xf32> -> vector<128x256xf32>
    %slice3A_376 = vector.extract_strided_slice %transpose3A_375 {offsets = [0, 0], sizes = [32, 256], strides = [1, 1]} : vector<128x256xf32> to vector<32x256xf32>
    %swap3A_377 = arith.constant 544 : index
    %swap3A_378 = arith.constant 0 : index
    %swap3A_379 = vector.load %arg3[%swap3A_377, %swap3A_378] : memref<845x1024xf32, #tpu.memory_space<vmem>>, vector<32x256xf32>
    tpu.vector_store %arg3[%swap3A_377, %swap3A_378], %slice3A_376 {strides = array<i32>} : memref<845x1024xf32, #tpu.memory_space<vmem>>, vector<32x256xf32>,
    %slice3A_380 = vector.extract_strided_slice %transpose3A_375 {offsets = [32, 0], sizes = [32, 256], strides = [1, 1]} : vector<128x256xf32> to vector<32x256xf32>
    %swap3A_381 = arith.constant 544 : index
    %swap3A_382 = arith.constant 256 : index
    %swap3A_383 = vector.load %arg3[%swap3A_381, %swap3A_382] : memref<845x1024xf32, #tpu.memory_space<vmem>>, vector<32x256xf32>
    tpu.vector_store %arg3[%swap3A_381, %swap3A_382], %slice3A_380 {strides = array<i32>} : memref<845x1024xf32, #tpu.memory_space<vmem>>, vector<32x256xf32>,
    %slice3A_384 = vector.extract_strided_slice %transpose3A_375 {offsets = [64, 0], sizes = [32, 256], strides = [1, 1]} : vector<128x256xf32> to vector<32x256xf32>
    %swap3A_385 = arith.constant 544 : index
    %swap3A_386 = arith.constant 512 : index
    %swap3A_387 = vector.load %arg3[%swap3A_385, %swap3A_386] : memref<845x1024xf32, #tpu.memory_space<vmem>>, vector<32x256xf32>
    tpu.vector_store %arg3[%swap3A_385, %swap3A_386], %slice3A_384 {strides = array<i32>} : memref<845x1024xf32, #tpu.memory_space<vmem>>, vector<32x256xf32>,
    %slice3A_388 = vector.extract_strided_slice %transpose3A_375 {offsets = [96, 0], sizes = [32, 256], strides = [1, 1]} : vector<128x256xf32> to vector<32x256xf32>
    %swap3A_389 = arith.constant 544 : index
    %swap3A_390 = arith.constant 768 : index
    %swap3A_391 = vector.load %arg3[%swap3A_389, %swap3A_390] : memref<845x1024xf32, #tpu.memory_space<vmem>>, vector<32x256xf32>
    tpu.vector_store %arg3[%swap3A_389, %swap3A_390], %slice3A_388 {strides = array<i32>} : memref<845x1024xf32, #tpu.memory_space<vmem>>, vector<32x256xf32>,
    %get3A_392 = arith.constant 0 : index
    %get3A_393 = arith.constant 4608 : index
    %get3A_394 = arith.constant 0 : index
    %get3A_395 = vector.load %arg1[%get3A_392, %get3A_393, %get3A_394] : memref<1x6656x128xf32, #tpu.memory_space<vmem>>, vector<1x256x128xf32>
    %get3A_396 = vector.shape_cast %get3A_395 : vector<1x256x128xf32> to vector<256x128xf32>
    %transpose3A_397 = tpu.transpose %get3A_396, [1, 0] : vector<256x128xf32> -> vector<128x256xf32>
    %slice3A_398 = vector.extract_strided_slice %transpose3A_397 {offsets = [0, 0], sizes = [32, 256], strides = [1, 1]} : vector<128x256xf32> to vector<32x256xf32>
    %swap3A_399 = arith.constant 576 : index
    %swap3A_400 = arith.constant 0 : index
    %swap3A_401 = vector.load %arg3[%swap3A_399, %swap3A_400] : memref<845x1024xf32, #tpu.memory_space<vmem>>, vector<32x256xf32>
    tpu.vector_store %arg3[%swap3A_399, %swap3A_400], %slice3A_398 {strides = array<i32>} : memref<845x1024xf32, #tpu.memory_space<vmem>>, vector<32x256xf32>,
    %slice3A_402 = vector.extract_strided_slice %transpose3A_397 {offsets = [32, 0], sizes = [32, 256], strides = [1, 1]} : vector<128x256xf32> to vector<32x256xf32>
    %swap3A_403 = arith.constant 576 : index
    %swap3A_404 = arith.constant 256 : index
    %swap3A_405 = vector.load %arg3[%swap3A_403, %swap3A_404] : memref<845x1024xf32, #tpu.memory_space<vmem>>, vector<32x256xf32>
    tpu.vector_store %arg3[%swap3A_403, %swap3A_404], %slice3A_402 {strides = array<i32>} : memref<845x1024xf32, #tpu.memory_space<vmem>>, vector<32x256xf32>,
    %slice3A_406 = vector.extract_strided_slice %transpose3A_397 {offsets = [64, 0], sizes = [32, 256], strides = [1, 1]} : vector<128x256xf32> to vector<32x256xf32>
    %swap3A_407 = arith.constant 576 : index
    %swap3A_408 = arith.constant 512 : index
    %swap3A_409 = vector.load %arg3[%swap3A_407, %swap3A_408] : memref<845x1024xf32, #tpu.memory_space<vmem>>, vector<32x256xf32>
    tpu.vector_store %arg3[%swap3A_407, %swap3A_408], %slice3A_406 {strides = array<i32>} : memref<845x1024xf32, #tpu.memory_space<vmem>>, vector<32x256xf32>,
    %slice3A_410 = vector.extract_strided_slice %transpose3A_397 {offsets = [96, 0], sizes = [32, 256], strides = [1, 1]} : vector<128x256xf32> to vector<32x256xf32>
    %swap3A_411 = arith.constant 576 : index
    %swap3A_412 = arith.constant 768 : index
    %swap3A_413 = vector.load %arg3[%swap3A_411, %swap3A_412] : memref<845x1024xf32, #tpu.memory_space<vmem>>, vector<32x256xf32>
    tpu.vector_store %arg3[%swap3A_411, %swap3A_412], %slice3A_410 {strides = array<i32>} : memref<845x1024xf32, #tpu.memory_space<vmem>>, vector<32x256xf32>,
    %get3A_414 = arith.constant 0 : index
    %get3A_415 = arith.constant 4864 : index
    %get3A_416 = arith.constant 0 : index
    %get3A_417 = vector.load %arg1[%get3A_414, %get3A_415, %get3A_416] : memref<1x6656x128xf32, #tpu.memory_space<vmem>>, vector<1x256x128xf32>
    %get3A_418 = vector.shape_cast %get3A_417 : vector<1x256x128xf32> to vector<256x128xf32>
    %transpose3A_419 = tpu.transpose %get3A_418, [1, 0] : vector<256x128xf32> -> vector<128x256xf32>
    %slice3A_420 = vector.extract_strided_slice %transpose3A_419 {offsets = [0, 0], sizes = [32, 256], strides = [1, 1]} : vector<128x256xf32> to vector<32x256xf32>
    %swap3A_421 = arith.constant 608 : index
    %swap3A_422 = arith.constant 0 : index
    %swap3A_423 = vector.load %arg3[%swap3A_421, %swap3A_422] : memref<845x1024xf32, #tpu.memory_space<vmem>>, vector<32x256xf32>
    tpu.vector_store %arg3[%swap3A_421, %swap3A_422], %slice3A_420 {strides = array<i32>} : memref<845x1024xf32, #tpu.memory_space<vmem>>, vector<32x256xf32>,
    %slice3A_424 = vector.extract_strided_slice %transpose3A_419 {offsets = [32, 0], sizes = [32, 256], strides = [1, 1]} : vector<128x256xf32> to vector<32x256xf32>
    %swap3A_425 = arith.constant 608 : index
    %swap3A_426 = arith.constant 256 : index
    %swap3A_427 = vector.load %arg3[%swap3A_425, %swap3A_426] : memref<845x1024xf32, #tpu.memory_space<vmem>>, vector<32x256xf32>
    tpu.vector_store %arg3[%swap3A_425, %swap3A_426], %slice3A_424 {strides = array<i32>} : memref<845x1024xf32, #tpu.memory_space<vmem>>, vector<32x256xf32>,
    %slice3A_428 = vector.extract_strided_slice %transpose3A_419 {offsets = [64, 0], sizes = [32, 256], strides = [1, 1]} : vector<128x256xf32> to vector<32x256xf32>
    %swap3A_429 = arith.constant 608 : index
    %swap3A_430 = arith.constant 512 : index
    %swap3A_431 = vector.load %arg3[%swap3A_429, %swap3A_430] : memref<845x1024xf32, #tpu.memory_space<vmem>>, vector<32x256xf32>
    tpu.vector_store %arg3[%swap3A_429, %swap3A_430], %slice3A_428 {strides = array<i32>} : memref<845x1024xf32, #tpu.memory_space<vmem>>, vector<32x256xf32>,
    %slice3A_432 = vector.extract_strided_slice %transpose3A_419 {offsets = [96, 0], sizes = [32, 256], strides = [1, 1]} : vector<128x256xf32> to vector<32x256xf32>
    %swap3A_433 = arith.constant 608 : index
    %swap3A_434 = arith.constant 768 : index
    %swap3A_435 = vector.load %arg3[%swap3A_433, %swap3A_434] : memref<845x1024xf32, #tpu.memory_space<vmem>>, vector<32x256xf32>
    tpu.vector_store %arg3[%swap3A_433, %swap3A_434], %slice3A_432 {strides = array<i32>} : memref<845x1024xf32, #tpu.memory_space<vmem>>, vector<32x256xf32>,
    %get3A_436 = arith.constant 0 : index
    %get3A_437 = arith.constant 5120 : index
    %get3A_438 = arith.constant 0 : index
    %get3A_439 = vector.load %arg1[%get3A_436, %get3A_437, %get3A_438] : memref<1x6656x128xf32, #tpu.memory_space<vmem>>, vector<1x256x128xf32>
    %get3A_440 = vector.shape_cast %get3A_439 : vector<1x256x128xf32> to vector<256x128xf32>
    %transpose3A_441 = tpu.transpose %get3A_440, [1, 0] : vector<256x128xf32> -> vector<128x256xf32>
    %slice3A_442 = vector.extract_strided_slice %transpose3A_441 {offsets = [0, 0], sizes = [32, 256], strides = [1, 1]} : vector<128x256xf32> to vector<32x256xf32>
    %swap3A_443 = arith.constant 640 : index
    %swap3A_444 = arith.constant 0 : index
    %swap3A_445 = vector.load %arg3[%swap3A_443, %swap3A_444] : memref<845x1024xf32, #tpu.memory_space<vmem>>, vector<32x256xf32>
    tpu.vector_store %arg3[%swap3A_443, %swap3A_444], %slice3A_442 {strides = array<i32>} : memref<845x1024xf32, #tpu.memory_space<vmem>>, vector<32x256xf32>,
    %slice3A_446 = vector.extract_strided_slice %transpose3A_441 {offsets = [32, 0], sizes = [32, 256], strides = [1, 1]} : vector<128x256xf32> to vector<32x256xf32>
    %swap3A_447 = arith.constant 640 : index
    %swap3A_448 = arith.constant 256 : index
    %swap3A_449 = vector.load %arg3[%swap3A_447, %swap3A_448] : memref<845x1024xf32, #tpu.memory_space<vmem>>, vector<32x256xf32>
    tpu.vector_store %arg3[%swap3A_447, %swap3A_448], %slice3A_446 {strides = array<i32>} : memref<845x1024xf32, #tpu.memory_space<vmem>>, vector<32x256xf32>,
    %slice3A_450 = vector.extract_strided_slice %transpose3A_441 {offsets = [64, 0], sizes = [32, 256], strides = [1, 1]} : vector<128x256xf32> to vector<32x256xf32>
    %swap3A_451 = arith.constant 640 : index
    %swap3A_452 = arith.constant 512 : index
    %swap3A_453 = vector.load %arg3[%swap3A_451, %swap3A_452] : memref<845x1024xf32, #tpu.memory_space<vmem>>, vector<32x256xf32>
    tpu.vector_store %arg3[%swap3A_451, %swap3A_452], %slice3A_450 {strides = array<i32>} : memref<845x1024xf32, #tpu.memory_space<vmem>>, vector<32x256xf32>,
    %slice3A_454 = vector.extract_strided_slice %transpose3A_441 {offsets = [96, 0], sizes = [32, 256], strides = [1, 1]} : vector<128x256xf32> to vector<32x256xf32>
    %swap3A_455 = arith.constant 640 : index
    %swap3A_456 = arith.constant 768 : index
    %swap3A_457 = vector.load %arg3[%swap3A_455, %swap3A_456] : memref<845x1024xf32, #tpu.memory_space<vmem>>, vector<32x256xf32>
    tpu.vector_store %arg3[%swap3A_455, %swap3A_456], %slice3A_454 {strides = array<i32>} : memref<845x1024xf32, #tpu.memory_space<vmem>>, vector<32x256xf32>,
    %get3A_458 = arith.constant 0 : index
    %get3A_459 = arith.constant 5376 : index
    %get3A_460 = arith.constant 0 : index
    %get3A_461 = vector.load %arg1[%get3A_458, %get3A_459, %get3A_460] : memref<1x6656x128xf32, #tpu.memory_space<vmem>>, vector<1x256x128xf32>
    %get3A_462 = vector.shape_cast %get3A_461 : vector<1x256x128xf32> to vector<256x128xf32>
    %transpose3A_463 = tpu.transpose %get3A_462, [1, 0] : vector<256x128xf32> -> vector<128x256xf32>
    %slice3A_464 = vector.extract_strided_slice %transpose3A_463 {offsets = [0, 0], sizes = [32, 256], strides = [1, 1]} : vector<128x256xf32> to vector<32x256xf32>
    %swap3A_465 = arith.constant 672 : index
    %swap3A_466 = arith.constant 0 : index
    %swap3A_467 = vector.load %arg3[%swap3A_465, %swap3A_466] : memref<845x1024xf32, #tpu.memory_space<vmem>>, vector<32x256xf32>
    tpu.vector_store %arg3[%swap3A_465, %swap3A_466], %slice3A_464 {strides = array<i32>} : memref<845x1024xf32, #tpu.memory_space<vmem>>, vector<32x256xf32>,
    %slice3A_468 = vector.extract_strided_slice %transpose3A_463 {offsets = [32, 0], sizes = [32, 256], strides = [1, 1]} : vector<128x256xf32> to vector<32x256xf32>
    %swap3A_469 = arith.constant 672 : index
    %swap3A_470 = arith.constant 256 : index
    %swap3A_471 = vector.load %arg3[%swap3A_469, %swap3A_470] : memref<845x1024xf32, #tpu.memory_space<vmem>>, vector<32x256xf32>
    tpu.vector_store %arg3[%swap3A_469, %swap3A_470], %slice3A_468 {strides = array<i32>} : memref<845x1024xf32, #tpu.memory_space<vmem>>, vector<32x256xf32>,
    %slice3A_472 = vector.extract_strided_slice %transpose3A_463 {offsets = [64, 0], sizes = [32, 256], strides = [1, 1]} : vector<128x256xf32> to vector<32x256xf32>
    %swap3A_473 = arith.constant 672 : index
    %swap3A_474 = arith.constant 512 : index
    %swap3A_475 = vector.load %arg3[%swap3A_473, %swap3A_474] : memref<845x1024xf32, #tpu.memory_space<vmem>>, vector<32x256xf32>
    tpu.vector_store %arg3[%swap3A_473, %swap3A_474], %slice3A_472 {strides = array<i32>} : memref<845x1024xf32, #tpu.memory_space<vmem>>, vector<32x256xf32>,
    %slice3A_476 = vector.extract_strided_slice %transpose3A_463 {offsets = [96, 0], sizes = [32, 256], strides = [1, 1]} : vector<128x256xf32> to vector<32x256xf32>
    %swap3A_477 = arith.constant 672 : index
    %swap3A_478 = arith.constant 768 : index
    %swap3A_479 = vector.load %arg3[%swap3A_477, %swap3A_478] : memref<845x1024xf32, #tpu.memory_space<vmem>>, vector<32x256xf32>
    tpu.vector_store %arg3[%swap3A_477, %swap3A_478], %slice3A_476 {strides = array<i32>} : memref<845x1024xf32, #tpu.memory_space<vmem>>, vector<32x256xf32>,
    %get3A_480 = arith.constant 0 : index
    %get3A_481 = arith.constant 5632 : index
    %get3A_482 = arith.constant 0 : index
    %get3A_483 = vector.load %arg1[%get3A_480, %get3A_481, %get3A_482] : memref<1x6656x128xf32, #tpu.memory_space<vmem>>, vector<1x256x128xf32>
    %get3A_484 = vector.shape_cast %get3A_483 : vector<1x256x128xf32> to vector<256x128xf32>
    %transpose3A_485 = tpu.transpose %get3A_484, [1, 0] : vector<256x128xf32> -> vector<128x256xf32>
    %slice3A_486 = vector.extract_strided_slice %transpose3A_485 {offsets = [0, 0], sizes = [32, 256], strides = [1, 1]} : vector<128x256xf32> to vector<32x256xf32>
    %swap3A_487 = arith.constant 704 : index
    %swap3A_488 = arith.constant 0 : index
    %swap3A_489 = vector.load %arg3[%swap3A_487, %swap3A_488] : memref<845x1024xf32, #tpu.memory_space<vmem>>, vector<32x256xf32>
    tpu.vector_store %arg3[%swap3A_487, %swap3A_488], %slice3A_486 {strides = array<i32>} : memref<845x1024xf32, #tpu.memory_space<vmem>>, vector<32x256xf32>,
    %slice3A_490 = vector.extract_strided_slice %transpose3A_485 {offsets = [32, 0], sizes = [32, 256], strides = [1, 1]} : vector<128x256xf32> to vector<32x256xf32>
    %swap3A_491 = arith.constant 704 : index
    %swap3A_492 = arith.constant 256 : index
    %swap3A_493 = vector.load %arg3[%swap3A_491, %swap3A_492] : memref<845x1024xf32, #tpu.memory_space<vmem>>, vector<32x256xf32>
    tpu.vector_store %arg3[%swap3A_491, %swap3A_492], %slice3A_490 {strides = array<i32>} : memref<845x1024xf32, #tpu.memory_space<vmem>>, vector<32x256xf32>,
    %slice3A_494 = vector.extract_strided_slice %transpose3A_485 {offsets = [64, 0], sizes = [32, 256], strides = [1, 1]} : vector<128x256xf32> to vector<32x256xf32>
    %swap3A_495 = arith.constant 704 : index
    %swap3A_496 = arith.constant 512 : index
    %swap3A_497 = vector.load %arg3[%swap3A_495, %swap3A_496] : memref<845x1024xf32, #tpu.memory_space<vmem>>, vector<32x256xf32>
    tpu.vector_store %arg3[%swap3A_495, %swap3A_496], %slice3A_494 {strides = array<i32>} : memref<845x1024xf32, #tpu.memory_space<vmem>>, vector<32x256xf32>,
    %slice3A_498 = vector.extract_strided_slice %transpose3A_485 {offsets = [96, 0], sizes = [32, 256], strides = [1, 1]} : vector<128x256xf32> to vector<32x256xf32>
    %swap3A_499 = arith.constant 704 : index
    %swap3A_500 = arith.constant 768 : index
    %swap3A_501 = vector.load %arg3[%swap3A_499, %swap3A_500] : memref<845x1024xf32, #tpu.memory_space<vmem>>, vector<32x256xf32>
    tpu.vector_store %arg3[%swap3A_499, %swap3A_500], %slice3A_498 {strides = array<i32>} : memref<845x1024xf32, #tpu.memory_space<vmem>>, vector<32x256xf32>,
    %get3A_502 = arith.constant 0 : index
    %get3A_503 = arith.constant 5888 : index
    %get3A_504 = arith.constant 0 : index
    %get3A_505 = vector.load %arg1[%get3A_502, %get3A_503, %get3A_504] : memref<1x6656x128xf32, #tpu.memory_space<vmem>>, vector<1x256x128xf32>
    %get3A_506 = vector.shape_cast %get3A_505 : vector<1x256x128xf32> to vector<256x128xf32>
    %transpose3A_507 = tpu.transpose %get3A_506, [1, 0] : vector<256x128xf32> -> vector<128x256xf32>
    %slice3A_508 = vector.extract_strided_slice %transpose3A_507 {offsets = [0, 0], sizes = [32, 256], strides = [1, 1]} : vector<128x256xf32> to vector<32x256xf32>
    %swap3A_509 = arith.constant 736 : index
    %swap3A_510 = arith.constant 0 : index
    %swap3A_511 = vector.load %arg3[%swap3A_509, %swap3A_510] : memref<845x1024xf32, #tpu.memory_space<vmem>>, vector<32x256xf32>
    tpu.vector_store %arg3[%swap3A_509, %swap3A_510], %slice3A_508 {strides = array<i32>} : memref<845x1024xf32, #tpu.memory_space<vmem>>, vector<32x256xf32>,
    %slice3A_512 = vector.extract_strided_slice %transpose3A_507 {offsets = [32, 0], sizes = [32, 256], strides = [1, 1]} : vector<128x256xf32> to vector<32x256xf32>
    %swap3A_513 = arith.constant 736 : index
    %swap3A_514 = arith.constant 256 : index
    %swap3A_515 = vector.load %arg3[%swap3A_513, %swap3A_514] : memref<845x1024xf32, #tpu.memory_space<vmem>>, vector<32x256xf32>
    tpu.vector_store %arg3[%swap3A_513, %swap3A_514], %slice3A_512 {strides = array<i32>} : memref<845x1024xf32, #tpu.memory_space<vmem>>, vector<32x256xf32>,
    %slice3A_516 = vector.extract_strided_slice %transpose3A_507 {offsets = [64, 0], sizes = [32, 256], strides = [1, 1]} : vector<128x256xf32> to vector<32x256xf32>
    %swap3A_517 = arith.constant 736 : index
    %swap3A_518 = arith.constant 512 : index
    %swap3A_519 = vector.load %arg3[%swap3A_517, %swap3A_518] : memref<845x1024xf32, #tpu.memory_space<vmem>>, vector<32x256xf32>
    tpu.vector_store %arg3[%swap3A_517, %swap3A_518], %slice3A_516 {strides = array<i32>} : memref<845x1024xf32, #tpu.memory_space<vmem>>, vector<32x256xf32>,
    %slice3A_520 = vector.extract_strided_slice %transpose3A_507 {offsets = [96, 0], sizes = [32, 256], strides = [1, 1]} : vector<128x256xf32> to vector<32x256xf32>
    %swap3A_521 = arith.constant 736 : index
    %swap3A_522 = arith.constant 768 : index
    %swap3A_523 = vector.load %arg3[%swap3A_521, %swap3A_522] : memref<845x1024xf32, #tpu.memory_space<vmem>>, vector<32x256xf32>
    tpu.vector_store %arg3[%swap3A_521, %swap3A_522], %slice3A_520 {strides = array<i32>} : memref<845x1024xf32, #tpu.memory_space<vmem>>, vector<32x256xf32>,
    %get3A_524 = arith.constant 0 : index
    %get3A_525 = arith.constant 6144 : index
    %get3A_526 = arith.constant 0 : index
    %get3A_527 = vector.load %arg1[%get3A_524, %get3A_525, %get3A_526] : memref<1x6656x128xf32, #tpu.memory_space<vmem>>, vector<1x256x128xf32>
    %get3A_528 = vector.shape_cast %get3A_527 : vector<1x256x128xf32> to vector<256x128xf32>
    %transpose3A_529 = tpu.transpose %get3A_528, [1, 0] : vector<256x128xf32> -> vector<128x256xf32>
    %slice3A_530 = vector.extract_strided_slice %transpose3A_529 {offsets = [0, 0], sizes = [32, 256], strides = [1, 1]} : vector<128x256xf32> to vector<32x256xf32>
    %swap3A_531 = arith.constant 768 : index
    %swap3A_532 = arith.constant 0 : index
    %swap3A_533 = vector.load %arg3[%swap3A_531, %swap3A_532] : memref<845x1024xf32, #tpu.memory_space<vmem>>, vector<32x256xf32>
    tpu.vector_store %arg3[%swap3A_531, %swap3A_532], %slice3A_530 {strides = array<i32>} : memref<845x1024xf32, #tpu.memory_space<vmem>>, vector<32x256xf32>,
    %slice3A_534 = vector.extract_strided_slice %transpose3A_529 {offsets = [32, 0], sizes = [32, 256], strides = [1, 1]} : vector<128x256xf32> to vector<32x256xf32>
    %swap3A_535 = arith.constant 768 : index
    %swap3A_536 = arith.constant 256 : index
    %swap3A_537 = vector.load %arg3[%swap3A_535, %swap3A_536] : memref<845x1024xf32, #tpu.memory_space<vmem>>, vector<32x256xf32>
    tpu.vector_store %arg3[%swap3A_535, %swap3A_536], %slice3A_534 {strides = array<i32>} : memref<845x1024xf32, #tpu.memory_space<vmem>>, vector<32x256xf32>,
    %slice3A_538 = vector.extract_strided_slice %transpose3A_529 {offsets = [64, 0], sizes = [32, 256], strides = [1, 1]} : vector<128x256xf32> to vector<32x256xf32>
    %swap3A_539 = arith.constant 768 : index
    %swap3A_540 = arith.constant 512 : index
    %swap3A_541 = vector.load %arg3[%swap3A_539, %swap3A_540] : memref<845x1024xf32, #tpu.memory_space<vmem>>, vector<32x256xf32>
    tpu.vector_store %arg3[%swap3A_539, %swap3A_540], %slice3A_538 {strides = array<i32>} : memref<845x1024xf32, #tpu.memory_space<vmem>>, vector<32x256xf32>,
    %slice3A_542 = vector.extract_strided_slice %transpose3A_529 {offsets = [96, 0], sizes = [32, 256], strides = [1, 1]} : vector<128x256xf32> to vector<32x256xf32>
    %swap3A_543 = arith.constant 768 : index
    %swap3A_544 = arith.constant 768 : index
    %swap3A_545 = vector.load %arg3[%swap3A_543, %swap3A_544] : memref<845x1024xf32, #tpu.memory_space<vmem>>, vector<32x256xf32>
    tpu.vector_store %arg3[%swap3A_543, %swap3A_544], %slice3A_542 {strides = array<i32>} : memref<845x1024xf32, #tpu.memory_space<vmem>>, vector<32x256xf32>,
    %get3A_546 = arith.constant 0 : index
    %get3A_547 = arith.constant 6400 : index
    %get3A_548 = arith.constant 0 : index
    %get3A_549 = vector.load %arg1[%get3A_546, %get3A_547, %get3A_548] : memref<1x6656x128xf32, #tpu.memory_space<vmem>>, vector<1x256x128xf32>
    %get3A_550 = vector.shape_cast %get3A_549 : vector<1x256x128xf32> to vector<256x128xf32>
    %transpose3A_551 = tpu.transpose %get3A_550, [1, 0] : vector<256x128xf32> -> vector<128x256xf32>
    %slice3A_552 = vector.extract_strided_slice %transpose3A_551 {offsets = [0, 0], sizes = [32, 256], strides = [1, 1]} : vector<128x256xf32> to vector<32x256xf32>
    %swap3A_553 = arith.constant 800 : index
    %swap3A_554 = arith.constant 0 : index
    %swap3A_555 = vector.load %arg3[%swap3A_553, %swap3A_554] : memref<845x1024xf32, #tpu.memory_space<vmem>>, vector<32x256xf32>
    tpu.vector_store %arg3[%swap3A_553, %swap3A_554], %slice3A_552 {strides = array<i32>} : memref<845x1024xf32, #tpu.memory_space<vmem>>, vector<32x256xf32>,
    %slice3A_556 = vector.extract_strided_slice %transpose3A_551 {offsets = [32, 0], sizes = [32, 256], strides = [1, 1]} : vector<128x256xf32> to vector<32x256xf32>
    %swap3A_557 = arith.constant 800 : index
    %swap3A_558 = arith.constant 256 : index
    %swap3A_559 = vector.load %arg3[%swap3A_557, %swap3A_558] : memref<845x1024xf32, #tpu.memory_space<vmem>>, vector<32x256xf32>
    tpu.vector_store %arg3[%swap3A_557, %swap3A_558], %slice3A_556 {strides = array<i32>} : memref<845x1024xf32, #tpu.memory_space<vmem>>, vector<32x256xf32>,
    %slice3A_560 = vector.extract_strided_slice %transpose3A_551 {offsets = [64, 0], sizes = [32, 256], strides = [1, 1]} : vector<128x256xf32> to vector<32x256xf32>
    %swap3A_561 = arith.constant 800 : index
    %swap3A_562 = arith.constant 512 : index
    %swap3A_563 = vector.load %arg3[%swap3A_561, %swap3A_562] : memref<845x1024xf32, #tpu.memory_space<vmem>>, vector<32x256xf32>
    tpu.vector_store %arg3[%swap3A_561, %swap3A_562], %slice3A_560 {strides = array<i32>} : memref<845x1024xf32, #tpu.memory_space<vmem>>, vector<32x256xf32>,
    %slice3A_564 = vector.extract_strided_slice %transpose3A_551 {offsets = [96, 0], sizes = [32, 256], strides = [1, 1]} : vector<128x256xf32> to vector<32x256xf32>
    %swap3A_565 = arith.constant 800 : index
    %swap3A_566 = arith.constant 768 : index
    %swap3A_567 = vector.load %arg3[%swap3A_565, %swap3A_566] : memref<845x1024xf32, #tpu.memory_space<vmem>>, vector<32x256xf32>
    tpu.vector_store %arg3[%swap3A_565, %swap3A_566], %slice3A_564 {strides = array<i32>} : memref<845x1024xf32, #tpu.memory_space<vmem>>, vector<32x256xf32>,
    %get3A_568 = arith.constant 0 : index
    %get3A_569 = arith.constant 0 : index
    %get3A_570 = vector.load %arg2[%get3A_568, %get3A_569] : memref<13x1024xf32, #tpu.memory_space<vmem>>, vector<13x1024xf32>
    %swap3A_571 = arith.constant 832 : index
    %swap3A_572 = arith.constant 0 : index
    %swap3A_573 = vector.load %arg3[%swap3A_571, %swap3A_572] : memref<845x1024xf32, #tpu.memory_space<vmem>>, vector<13x1024xf32>
    tpu.vector_store %arg3[%swap3A_571, %swap3A_572], %get3A_570 {strides = array<i32>} : memref<845x1024xf32, #tpu.memory_space<vmem>>, vector<13x1024xf32>,
    return
  }
  func.func @transform_0(%arg0: i32) -> (i32, i32, i32) {
    %c0_i32 = arith.constant 0 : i32
    %c0_i32_0 = arith.constant 0 : i32
    %c0_i32_1 = arith.constant 0 : i32
    return %arg0, %c0_i32, %c0_i32_0 : i32, i32, i32
  }
  func.func @transform_1(%arg0: i32) -> (i32, i32) {
    %c0_i32 = arith.constant 0 : i32
    %c0_i32_0 = arith.constant 0 : i32
    return %c0_i32, %arg0 : i32, i32
  }
  func.func @transform_2(%arg0: i32) -> (i32, i32) {
    %c0_i32 = arith.constant 0 : i32
    %c0_i32_0 = arith.constant 0 : i32
    return %c0_i32, %arg0 : i32, i32
  }
}

</mosaic_0001>

<sc_bundles>
// kernel: kernel.5.cloned.1.call-start
scs
__scs_entry_jumppad:
0x0: {  	(pc) =	sbr.rel $0x88, $3  }
0x1: {  	(tag) =	ssettag $0x0;
	lr =	simm.s32 $0x1  }
0x2: {  	[smem:$0x3F9C] =	sst lr;
	_ =	strace $0xD0000000  }
0x3: {  	_ = 	snop  }
0x4: {  	_ = 	snop  }
0x5: {  	_ = 	snop  }
0x6: {  	_ = 	snop  }
0x7: {  	_ = 	snop  }
__scs_overlays_trampoline_lowered:
0x8: {  	[smem:$0x3FAB] =	sst s0  }
0x9: {  	[smem:$0x3FAC] =	sst s1  }
0xa: {  	[smem:$0x3FAD] =	sst s2  }
0xb: {  	[smem:$0x3FAE] =	sst s3  }
0xc: {  	[smem:$0x3FAF] =	sst s4  }
0xd: {  	[smem:$0x3FB0] =	sst s5  }
0xe: {  	[smem:$0x3FB1] =	sst s6  }
0xf: {  	[smem:$0x3FB2] =	sst s7  }
0x10: {  	[smem:$0x3FB3] =	sst s8  }
0x11: {  	[smem:$0x3FB4] =	sst s9;
	s0 =	simm.s32 @!p0 $0x0  }
0x12: {  	s1 =	sld [smem:$0x3F9A];
	s0 =	simm.s32 @p0 $0x1  }
0x13: {  	[smem:$0x3FB5] =	sst s0;
	s0 =	simm.s32 @!p1 $0x0  }
0x14: {  	s2 =	sld [smem:$0x3F99];
	s0 =	simm.s32 @p1 $0x1  }
0x15: {  	[smem:$0x3FB6] =	sst s0;
	s0 =	simm.s32 @!p2 $0x0  }
0x16: {  	s3 =	sld [smem:$0x3FDB];
	s0 =	simm.s32 @p2 $0x1  }
0x17: {  	s4 =	simm.s32 $0x1BF5;
	[smem:$0x3FB8] =	sst s0  }
0x18: {  	s0 =	sld [smem:$0x3F9B];
	_ =	swait.ge [sflag:s4], $0x0  }
0x19: {  	s7 =	sld [smem:$0x3F9C]  }
0x1a: {  	s8 =	sadd.s32 $0xFFFFE003, lr  }
0x1b: {  	s9 =	sadd.s32 $0xFFFFFEF7, lr;
	s5 =	simm.s32 $0xFFFFFFFF;
	p2 =	slt.u32 s8, $0xFFFFF086  }
0x1c: {  	p1 =	slt.u32 s9, $0xF7A;
	s5 =	simm.s32 @!p2 $0x0  }
0x1d: {  	s5 =	simm.s32 @p1 $0x1;
	p0 =	seq.s32 s7, s2  }
0x1e: {  	s7 =	smul.u32 @!p0 $0xF7A, s2;
	p2 =	seq.s32 @!p0 s5, $0x0  }
0x1f: {  	s9 =	smul.u32 $0xF7A, s1;
	s8 =	simm.s32 @!p0 $0x1BF5;
	p2 =	por !p2, p0  }
0x20: {  	[sflag:s8] =	ssyncset.s32 @!p0 $0xFFFFF086;
	s6 =	sadd.s32 @!p0 s3, s7;
	s7 =	simm.s32 @!p0 $0x108  }
0x21: {  	s3 =	sadd.s32 s3, s9;
	s6 =	sadd.s32 @!p0 $0x88, s6;
	s7 =	simm.s32 @p2 $0x1082  }
0x22: {  	[simem:s7], [sflag:s8] =	dma.local @!p0 [hbm:s6], $0xF7A  }
0x23: {  	s9 =	sor.u32 $0xD0000000, s2;
	s6 =	simm.s32 $0x108;
	_ =	swait.ge @!p0 [sflag:s8], $0x0  }
0x24: {  	s3 =	sadd.s32 $0x88, s3;
	s6 =	simm.s32 @!p1 $0x1082;
	[sflag:s4] =	ssyncset.s32 $0xFFFFF086  }
0x25: {  	[simem:s6], [sflag:s4] =	dma.local [hbm:s3], $0xF7A  }
0x26: {  	[smem:$0x3F9C] =	sst s1;
	(tag) =	ssettag s2;
	_ =	strace s9  }
0x27: {  	s1 =	sld [smem:$0x3FAC]  }
0x28: {  	s2 =	sld [smem:$0x3FAD]  }
0x29: {  	s4 =	sld [smem:$0x3FAF]  }
0x2a: {  	p0 =	seq.s32 s5, $0x0;
	s5 =	sld [smem:$0x3FB0]  }
0x2b: {  	s6 =	sld [smem:$0x3FB1]  }
0x2c: {  	s7 =	sld [smem:$0x3FB2]  }
0x2d: {  	s3 =	simm.s32 $0x108;
	s8 =	sld [smem:$0x3FB3]  }
0x2e: {  	s3 =	simm.s32 @!p0 $0x1082;
	s9 =	sld [smem:$0x3FB4]  }
0x2f: {  	lr =	sadd.s32 s0, s3;
	s0 =	sld [smem:$0x3FAB]  }
0x30: {  	s3 =	sld [smem:$0x3FAE]  }
0x31: {  	[smem:$0x3FB7] =	sst s10  }
0x32: {  	s10 =	sld [smem:$0x3FB5];
	_ =	sdelay $0x3  }
0x33: {  	p0 =	seq.s32 s10, $0x1;
	s10 =	sld [smem:$0x3FB7];
	_ =	sdelay $0x3  }
0x34: {  	[smem:$0x3FB7] =	sst s10  }
0x35: {  	s10 =	sld [smem:$0x3FB6];
	_ =	sdelay $0x3  }
0x36: {  	p1 =	seq.s32 s10, $0x1;
	s10 =	sld [smem:$0x3FB7];
	_ =	sdelay $0x3  }
0x37: {  	[smem:$0x3FB7] =	sst s10  }
0x38: {  	s10 =	sld [smem:$0x3FB8]  }
0x39: {  	_ = 	snop;
	(pc) =	sbr.ind lr, $3  }
0x3a: {  	_ = 	snop  }
0x3b: {  	_ = 	snop  }
0x3c: {  	p2 =	seq.s32 s10, $0x1;
	s10 =	sld [smem:$0x3FB7]  }
0x3d: {  	_ =	shalt  }
0x3e: {  	_ =	shalt  }
0x3f: {  	_ =	shalt  }
0x40: {  	_ =	shalt  }
0x41: {  	_ =	shalt  }
0x42: {  	_ =	shalt  }
0x43: {  	_ =	shalt  }
0x44: {  	_ =	shalt  }
0x45: {  	_ =	shalt  }
0x46: {  	_ =	shalt  }
0x47: {  	_ =	shalt  }
0x48: {  	_ =	shalt  }
0x49: {  	_ =	shalt  }
0x4a: {  	_ =	shalt  }
0x4b: {  	_ =	shalt  }
0x4c: {  	_ =	shalt  }
0x4d: {  	_ =	shalt  }
0x4e: {  	_ =	shalt  }
0x4f: {  	_ =	shalt  }
0x50: {  	_ =	shalt  }
0x51: {  	_ =	shalt  }
0x52: {  	_ =	shalt  }
0x53: {  	_ =	shalt  }
0x54: {  	_ =	shalt  }
0x55: {  	_ =	shalt  }
0x56: {  	_ =	shalt  }
0x57: {  	_ =	shalt  }
0x58: {  	_ =	shalt  }
0x59: {  	_ =	shalt  }
0x5a: {  	_ =	shalt  }
0x5b: {  	_ =	shalt  }
0x5c: {  	_ =	shalt  }
0x5d: {  	_ =	shalt  }
0x5e: {  	_ =	shalt  }
0x5f: {  	_ =	shalt  }
0x60: {  	_ =	shalt  }
0x61: {  	_ =	shalt  }
0x62: {  	_ =	shalt  }
0x63: {  	_ =	shalt  }
0x64: {  	_ =	shalt  }
0x65: {  	_ =	shalt  }
0x66: {  	_ =	shalt  }
0x67: {  	_ =	shalt  }
0x68: {  	_ =	shalt  }
0x69: {  	_ =	shalt  }
0x6a: {  	_ =	shalt  }
0x6b: {  	_ =	shalt  }
0x6c: {  	_ =	shalt  }
0x6d: {  	_ =	shalt  }
0x6e: {  	_ =	shalt  }
0x6f: {  	_ =	shalt  }
0x70: {  	_ =	shalt  }
0x71: {  	_ =	shalt  }
0x72: {  	_ =	shalt  }
0x73: {  	_ =	shalt  }
0x74: {  	_ =	shalt  }
0x75: {  	_ =	shalt  }
0x76: {  	_ =	shalt  }
0x77: {  	_ =	shalt  }
0x78: {  	_ =	shalt  }
0x79: {  	_ =	shalt  }
0x7a: {  	_ =	shalt  }
0x7b: {  	_ =	shalt  }
0x7c: {  	_ =	shalt  }
0x7d: {  	_ =	shalt  }
0x7e: {  	_ =	shalt  }
0x7f: {  	_ =	shalt  }
0x80: {  	_ =	shalt  }
0x81: {  	_ =	shalt  }
0x82: {  	_ =	shalt  }
0x83: {  	_ =	shalt  }
0x84: {  	_ =	shalt  }
0x85: {  	_ =	shalt  }
0x86: {  	_ =	shalt  }
0x87: {  	_ =	shalt  }
.Lfunc_end0:
.L_simem_size_0:
called_computation_lowered:
.L_overlay_start_0:
0x88: {  	s2 =	sld [smem:$0x3FD9]  }
0x89: {  	s3 =	sld [smem:$0x3FFE];
	_ =	sdelay $0x1  }
0x8a: {  	s1 =	srdreg.scid  }
0x8b: {  	s0 =	sand.u32 $0x1, s1  }
0x8c: {  	s17 =	sshll.u32 s0, $0xA;
	s2 =	sadd.s32 s3, s2  }
0x8d: {  	s2 =	sadd.s32 s2, s17  }
0x8e: {  	[smem:$0x3FC3] =	sst s2  }
0x8f: {  	_ = 	snop  }
0x90: {  	s2 =	sld [smem:$0x3FD0];
	(tm) =	ssettm $0x1  }
0x91: {  	s18 =	sld [smem:$0x3FFB];
	_ =	sdelay $0x3  }
0x92: {  	_ =	strace s18  }
0x93: {  	s3 =	sld [smem:$0x3FFC];
	_ =	sdelay $0x3  }
0x94: {  	_ =	strace s3  }
0x95: {  	s3 =	sld [smem:$0x3FFD];
	_ =	sdelay $0x3  }
0x96: {  	_ =	strace s3  }
0x97: {  	_ =	strace $0x8FFFFFFF  }
0x98: {  	s19 =	sld [smem:$0x3FDB];
	_ =	sdelay $0x1  }
0x99: {  	s4 =	simm.s32 $_scs_section_size  }
0x9a: {  	s5 =	simm.s32 $_size__tile_overlayer_lowered;
	s6 =	simm.s32 $_tile_overlayer_lowered  }
0x9b: {  	s22 =	simm.s32 $0x1BFF;
	s21 =	sshll.u32 s6, $0x1;
	s3 =	sadd.s32 s4, s19  }
0x9c: {  	s7 =	simm.s32 $0x0;
	s20 =	sshll.u32 s5, $0x1;
	s5 =	sadd.s32 s21, s3  }
0x9d: {  	[timem:s7], [sflag:s22] =	dma.local [hbm:s5], s20  }
0x9e: {  	_ =	swait.ge [sflag:s22], s20  }
0x9f: {  	s4 =	ssub.s32 $0x0, s20;
	[sflag:s22] =	ssyncset.done $0x0  }
0xa0: {  	[sflag:s22] =	ssyncadd.s32 s4;
	_ =	sdelay $0x1  }
0xa1: {  	s23 =	simm.s32 $0x1B8B  }
0xa2: {  	_ =	swait.ge [sflag:s23], $0x1  }
0xa3: {  	[sflag:s23] =	ssyncset.done $0x0  }
0xa4: {  	s25 =	simm.s32 $0x1B8E;
	s24 =	sld [smem:$0x3FFE];
	[sflag:s23] =	ssyncadd.s32 $0xFFFFFFFF  }
0xa5: {  	s26 =	simm.s32 $execute0_lowered;
	[smem:$0x3FD2] =	sst s25  }
0xa6: {  	s5 =	sshll.u32 s26, $0x1;
	_ =	strace $0x80000046;
	[dreg:$0x1] =	wrdreg $0xFFFFFFFF  }
0xa7: {  	s28 =	simm.s32 $_size_execute0_lowered;
	s3 =	sadd.s32 s3, s5;
	[dreg:$0x0] =	wrdreg $0x0  }
0xa8: {  	s5 =	sshll.u32 s28, $0x1;
	[dreg:$0x2] =	wrdreg s3  }
0xa9: {  	[dreg:$0x3] =	wrdreg s5  }
0xaa: {  	[dreg:$0x4] =	wrdreg $0xC0  }
0xab: {  	_ =	task [dreg:s7], $0x5FFFF  }
0xac: {  	[dreg:$0x1] =	wrdreg $0xFFFFFFFF  }
0xad: {  	[dreg:$0x0] =	wrdreg $0x60  }
0xae: {  	[dreg:$0x2] =	wrdreg s24  }
0xaf: {  	[dreg:$0x3] =	wrdreg s2  }
0xb0: {  	[dreg:$0x4] =	wrdreg $0x9  }
0xb1: {  	_ =	task.clear_ibuf [dreg:s7], $0x5FFFF;
	_ =	strace $0x90000046  }
0xb2: {  	s29 =	simm.s32 $0x9;
	_ =	strace $0x80000048  }
0xb3: {  	_ =	swait.ge [sflag:s29], $0x1  }
0xb4: {  	[sflag:s29] =	ssyncadd.s32 $0xFFFFFFFF  }
0xb5: {  	_ =	strace $0x90000048  }
0xb6: {  	_ =	sfence  }
0xb7: {  	s30 =	sld [smem:$0x0];
	_ =	sdelay $0x2  }
0xb8: {  	s31 =	sshll.u32 s1, $0xD;
	s1 =	sshrl.u32 s1, $0x2  }
0xb9: {  	s3 =	sand.u32 $0x4000, s31;
	s1 =	sadd.s32 s1, s30  }
0xba: {  	s0 =	sor.u32 s3, s0;
	s1 =	sshll.u32 s1, $0x11  }
0xbb: {  	s0 =	sor.u32 s1, s0  }
0xbc: {  	s0 =	sadd.s32 $0x8F2B, s0  }
0xbd: {  	[sflag:s0] =	ssyncadd.remote.s32 $0x1  }
0xbe: {  	_ =	sfence.sel $0xFFFF  }
0xbf: {  	[dreg:$0x0] =	wrdreg $0xFFFFFFFF;
	(pc) =	sbr.abs _section_cstart, $3  }
0xc0: {  	[dreg:$0x1] =	wrdreg $0xFFFFFFFF  }
0xc1: {  	_ =	task.clear_ibuf [dreg:s7], $0x2FFFF;
	_ =	strace $0x9FFFFFFF  }
0xc2: {  	(tm) =	ssettm $0x7FFFFFFF  }
0xc3: {  	_ =	shalt  }
tec
execute0_lowered:
.L_overlay_start_1:
0x0: {  	(tag) =	ssettag $0x1  }
0x1: {  	s0 =	rddreg [dreg:$0x0]  }
0x2: {  	s2 =	rddreg [dreg:$0x1];
	s1 =	simm.s32 $0x0;
	s4 =	srdreg.scid  }
0x3: {  	s11 =	stileid.u32;
	s12 =	simm.s32 $0x5400;
	s13 =	simm.s32 $0x180  }
0x4: {  	s14 =	simm.s32 $0x6400;
	s15 =	simm.s32 $0x200;
	s24 =	simm.s32 $0xC400  }
0x5: {  	s16 =	simm.s32 $0x7400;
	s25 =	simm.s32 $0xD400;
	s17 =	simm.s32 $0x280  }
0x6: {  	s26 =	simm.s32 $0xE400;
	s18 =	simm.s32 $0x8400;
	s28 =	simm.s32 $0xF400  }
0x7: {  	s19 =	simm.s32 $0x300;
	s29 =	simm.s32 $0x10400;
	[smem:$0x7FF] =	sst s1  }
0x8: {  	s30 =	simm.s32 $0x11400;
	_ =	strace $0x80000047;
	[dreg:$0x5] =	wrdreg s24  }
0x9: {  	s31 =	simm.s32 $0x12400;
	s3 =	sadd.s32 $0x27AD200, s0;
	[dreg:$0x6] =	wrdreg s25  }
0xa: {  	s5 =	sand.u32 $0x1, s4;
	s8 =	smul.u32 $0xD, s11;
	[dreg:$0x7] =	wrdreg s26  }
0xb: {  	s0 =	sadd.s32 $0xE00, s0;
	s23 =	smul.u32 $0xD000, s11;
	[dreg:$0x8] =	wrdreg s28  }
0xc: {  	s4 =	sshll.u32 s5, $0x4;
	s6 =	smul.u32 $0xD0, s5;
	[dreg:$0x9] =	wrdreg s29  }
0xd: {  	s7 =	ssub.s32 $0x2, s5;
	s5 =	smul.u32 $0xD0000, s5;
	[dreg:$0xa] =	wrdreg s30  }
0xe: {  	[dreg:$0xb] =	wrdreg s31;
	s24 =	simm.s32 $0x1;
	s4 =	sor.u32 s11, s4  }
0xf: {  	s25 =	simm.s32 $0x2;
	s9 =	sshrl.u32 s7, $0x1;
	s10 =	smul.u32 $0x680, s4  }
0x10: {  	s26 =	simm.s32 $0x0;
	s7 =	ssub.s32 s7, s9;
	s20 =	smul.u32 $0x68000, s4  }
0x11: {  	s6 =	sadd.s32 s8, s6;
	s8 =	simm.s32 $0x80;
	s9 =	simm.s32 $0x3400  }
0x12: {  	s21 =	sshll.u32 s6, $0xC;
	s4 =	sadd.s32 s2, s10;
	s22 =	sshrl.u32 s20, $0x3  }
0x13: {  	s2 =	sadd.s32 s0, s21;
	s10 =	simm.s32 $0x4400;
	s20 =	simm.s32 $0x9400  }
0x14: {  	s21 =	simm.s32 $0x380;
	s6 =	sadd.s32 s0, s22;
	s2 =	sadd.s32 $0x1000, s2  }
0x15: {  	s0 =	sadd.s32 s5, s0;
	s22 =	simm.s32 $0xA400;
	s5 =	sadd.s32 $0xC000, s6  }
0x16: {  	[dreg:$0x3] =	wrdreg s2;
	s0 =	sadd.s32 s23, s0;
	s6 =	smax.u32 s7, $0x1  }
0x17: {  	s7 =	simm.s32 $0x3;
	s23 =	simm.s32 $0xB400;
	[dreg:$0x4] =	wrdreg s0  }
.LBB2_1:
0x18: {  	[tilespmem:s1], [sflag:$0x3] =	stream.linear.gather [hbm4b:s4+s1], $0x3400, $0x38;
	[tilespmem:$0x13400] =	vst v63  }
0x19: {  	_ =	swait.ge [sflag:s7], $0x3400  }
0x1a: {  	[sflag:s7] =	ssyncset.done $0x0  }
0x1b: {  	[sflag:s7] =	ssyncadd.s32 $0xFFFFCC00  }
0x1c: {  	[tilespmem:s9], [sflag:$0x1] =	stream.indirect.gather [hbm4b:s3+s8], $0x20, s1, s8, $0xb8;
	[tilespmem:$0x13400] =	vst v63  }
0x1d: {  	_ = 	snop  }
0x1e: {  	[tilespmem:s10], [sflag:$0x1] =	stream.indirect.gather [hbm4b:s3+s8], $0x20, s8, s8, $0xb8;
	[tilespmem:$0x13400] =	vst v63  }
0x1f: {  	s0 =	simm.s32 $0x100  }
0x20: {  	[tilespmem:s12], [sflag:$0x1] =	stream.indirect.gather [hbm4b:s3+s8], $0x20, s0, s8, $0xb8;
	[tilespmem:$0x13400] =	vst v63  }
0x21: {  	_ = 	snop  }
0x22: {  	[tilespmem:s14], [sflag:$0x1] =	stream.indirect.gather [hbm4b:s3+s8], $0x20, s13, s8, $0xb8;
	[tilespmem:$0x13400] =	vst v63  }
0x23: {  	_ = 	snop  }
0x24: {  	[tilespmem:s16], [sflag:$0x1] =	stream.indirect.gather [hbm4b:s3+s8], $0x20, s15, s8, $0xb8;
	[tilespmem:$0x13400] =	vst v63  }
0x25: {  	_ = 	snop  }
0x26: {  	[tilespmem:s18], [sflag:$0x1] =	stream.indirect.gather [hbm4b:s3+s8], $0x20, s17, s8, $0xb8;
	[tilespmem:$0x13400] =	vst v63  }
0x27: {  	_ = 	snop  }
0x28: {  	[tilespmem:s20], [sflag:$0x1] =	stream.indirect.gather [hbm4b:s3+s8], $0x20, s19, s8, $0xb8;
	[tilespmem:$0x13400] =	vst v63  }
0x29: {  	_ = 	snop  }
0x2a: {  	[tilespmem:s22], [sflag:$0x1] =	stream.indirect.gather [hbm4b:s3+s8], $0x20, s21, s8, $0xb8;
	[tilespmem:$0x13400] =	vst v63  }
0x2b: {  	s2 =	simm.s32 $0x400  }
0x2c: {  	[tilespmem:s23], [sflag:$0x2] =	stream.indirect.gather [hbm4b:s3+s8], $0x20, s2, s8, $0xb8;
	[tilespmem:$0x13400] =	vst v63  }
0x2d: {  	s31 =	simm.s32 $0x480;
	s11 =	rddreg [dreg:$0x5]  }
0x2e: {  	[tilespmem:s11], [sflag:$0x2] =	stream.indirect.gather [hbm4b:s3+s8], $0x20, s31, s8, $0xb8;
	[tilespmem:$0x13400] =	vst v63  }
0x2f: {  	s28 =	rddreg [dreg:$0x6];
	s2 =	simm.s32 $0x500  }
0x30: {  	[tilespmem:s28], [sflag:$0x2] =	stream.indirect.gather [hbm4b:s3+s8], $0x20, s2, s8, $0xb8;
	[tilespmem:$0x13400] =	vst v63  }
0x31: {  	s11 =	rddreg [dreg:$0x7];
	s31 =	simm.s32 $0x580  }
0x32: {  	[tilespmem:s11], [sflag:$0x2] =	stream.indirect.gather [hbm4b:s3+s8], $0x20, s31, s8, $0xb8;
	[tilespmem:$0x13400] =	vst v63  }
0x33: {  	s28 =	rddreg [dreg:$0x8];
	s2 =	simm.s32 $0x600  }
0x34: {  	[tilespmem:s28], [sflag:$0x2] =	stream.indirect.gather [hbm4b:s3+s8], $0x20, s2, s8, $0xb8;
	[tilespmem:$0x13400] =	vst v63  }
0x35: {  	s11 =	rddreg [dreg:$0x9];
	s31 =	simm.s32 $0x680  }
0x36: {  	[tilespmem:s11], [sflag:$0x2] =	stream.indirect.gather [hbm4b:s3+s8], $0x20, s31, s8, $0xb8;
	[tilespmem:$0x13400] =	vst v63  }
0x37: {  	s28 =	rddreg [dreg:$0xa];
	s11 =	simm.s32 $0x700  }
0x38: {  	[tilespmem:s28], [sflag:$0x2] =	stream.indirect.gather [hbm4b:s3+s8], $0x20, s11, s8, $0xb8;
	[tilespmem:$0x13400] =	vst v63  }
0x39: {  	s31 =	rddreg [dreg:$0xb];
	s11 =	simm.s32 $0x780  }
0x3a: {  	[tilespmem:s31], [sflag:$0x2] =	stream.indirect.gather [hbm4b:s3+s8], $0x20, s11, s8, $0xb8;
	[tilespmem:$0x13400] =	vst v63  }
0x3b: {  	_ =	swait.ge [sflag:s24], $0x1000  }
0x3c: {  	[sflag:s24] =	ssyncset.done $0x0  }
0x3d: {  	[sflag:s24] =	ssyncadd.s32 $0xFFFFF000  }
0x3e: {  	_ =	swait.ge [sflag:s24], $0x1000  }
0x3f: {  	[sflag:s24] =	ssyncset.done $0x0  }
0x40: {  	[sflag:s24] =	ssyncadd.s32 $0xFFFFF000  }
0x41: {  	_ =	swait.ge [sflag:s24], $0x1000  }
0x42: {  	[sflag:s24] =	ssyncset.done $0x0  }
0x43: {  	[sflag:s24] =	ssyncadd.s32 $0xFFFFF000  }
0x44: {  	_ =	swait.ge [sflag:s24], $0x1000  }
0x45: {  	[sflag:s24] =	ssyncset.done $0x0  }
0x46: {  	[sflag:s24] =	ssyncadd.s32 $0xFFFFF000  }
0x47: {  	_ =	swait.ge [sflag:s24], $0x1000  }
0x48: {  	[sflag:s24] =	ssyncset.done $0x0  }
0x49: {  	[sflag:s24] =	ssyncadd.s32 $0xFFFFF000  }
0x4a: {  	_ =	swait.ge [sflag:s24], $0x1000  }
0x4b: {  	[sflag:s24] =	ssyncset.done $0x0  }
0x4c: {  	[sflag:s24] =	ssyncadd.s32 $0xFFFFF000  }
0x4d: {  	_ =	swait.ge [sflag:s24], $0x1000  }
0x4e: {  	[sflag:s24] =	ssyncset.done $0x0  }
0x4f: {  	[sflag:s24] =	ssyncadd.s32 $0xFFFFF000  }
0x50: {  	_ =	swait.ge [sflag:s24], $0x1000  }
0x51: {  	s31 =	rddreg [dreg:$0x4];
	[sflag:s24] =	ssyncset.done $0x0  }
0x52: {  	[sflag:s24] =	ssyncadd.s32 $0xFFFFF000;
	s0 =	sadd.s32 $0x0, s31  }
0x53: {  	[hbm4b:s0+s1] =	stream.linear.scatter [tilespmem:s9], [sflag:$0x3], $0x8000, $0x38;
	[tilespmem:$0x13400] =	vst v63  }
0x54: {  	_ =	swait.ge [sflag:s7], $0x8000  }
0x55: {  	[sflag:s7] =	ssyncset.done $0x0  }
0x56: {  	s2 =	simm.s32 $0x800;
	[sflag:s7] =	ssyncadd.s32 $0xFFFF8000  }
0x57: {  	[tilespmem:s9], [sflag:$0x1] =	stream.indirect.gather [hbm4b:s3+s8], $0x20, s2, s8, $0xb8;
	[tilespmem:$0x13400] =	vst v63  }
0x58: {  	s11 =	simm.s32 $0x880  }
0x59: {  	[tilespmem:s10], [sflag:$0x1] =	stream.indirect.gather [hbm4b:s3+s8], $0x20, s11, s8, $0xb8;
	[tilespmem:$0x13400] =	vst v63  }
0x5a: {  	s31 =	simm.s32 $0x900  }
0x5b: {  	[tilespmem:s12], [sflag:$0x1] =	stream.indirect.gather [hbm4b:s3+s8], $0x20, s31, s8, $0xb8;
	[tilespmem:$0x13400] =	vst v63  }
0x5c: {  	s2 =	simm.s32 $0x980  }
0x5d: {  	[tilespmem:s14], [sflag:$0x1] =	stream.indirect.gather [hbm4b:s3+s8], $0x20, s2, s8, $0xb8;
	[tilespmem:$0x13400] =	vst v63  }
0x5e: {  	s11 =	simm.s32 $0xA00  }
0x5f: {  	[tilespmem:s16], [sflag:$0x1] =	stream.indirect.gather [hbm4b:s3+s8], $0x20, s11, s8, $0xb8;
	[tilespmem:$0x13400] =	vst v63  }
0x60: {  	s31 =	simm.s32 $0xA80  }
0x61: {  	[tilespmem:s18], [sflag:$0x1] =	stream.indirect.gather [hbm4b:s3+s8], $0x20, s31, s8, $0xb8;
	[tilespmem:$0x13400] =	vst v63  }
0x62: {  	s2 =	simm.s32 $0xB00  }
0x63: {  	[tilespmem:s20], [sflag:$0x1] =	stream.indirect.gather [hbm4b:s3+s8], $0x20, s2, s8, $0xb8;
	[tilespmem:$0x13400] =	vst v63  }
0x64: {  	s11 =	simm.s32 $0xB80  }
0x65: {  	[tilespmem:s22], [sflag:$0x1] =	stream.indirect.gather [hbm4b:s3+s8], $0x20, s11, s8, $0xb8;
	[tilespmem:$0x13400] =	vst v63  }
0x66: {  	_ =	swait.ge [sflag:s25], $0x1000  }
0x67: {  	[sflag:s25] =	ssyncset.done $0x0  }
0x68: {  	[sflag:s25] =	ssyncadd.s32 $0xFFFFF000  }
0x69: {  	_ =	swait.ge [sflag:s25], $0x1000  }
0x6a: {  	[sflag:s25] =	ssyncset.done $0x0  }
0x6b: {  	[sflag:s25] =	ssyncadd.s32 $0xFFFFF000  }
0x6c: {  	_ =	swait.ge [sflag:s25], $0x1000  }
0x6d: {  	[sflag:s25] =	ssyncset.done $0x0  }
0x6e: {  	[sflag:s25] =	ssyncadd.s32 $0xFFFFF000  }
0x6f: {  	_ =	swait.ge [sflag:s25], $0x1000  }
0x70: {  	[sflag:s25] =	ssyncset.done $0x0  }
0x71: {  	[sflag:s25] =	ssyncadd.s32 $0xFFFFF000  }
0x72: {  	_ =	swait.ge [sflag:s25], $0x1000  }
0x73: {  	[sflag:s25] =	ssyncset.done $0x0  }
0x74: {  	[sflag:s25] =	ssyncadd.s32 $0xFFFFF000  }
0x75: {  	_ =	swait.ge [sflag:s25], $0x1000  }
0x76: {  	[sflag:s25] =	ssyncset.done $0x0  }
0x77: {  	[sflag:s25] =	ssyncadd.s32 $0xFFFFF000  }
0x78: {  	_ =	swait.ge [sflag:s25], $0x1000  }
0x79: {  	[sflag:s25] =	ssyncset.done $0x0  }
0x7a: {  	[sflag:s25] =	ssyncadd.s32 $0xFFFFF000  }
0x7b: {  	_ =	swait.ge [sflag:s25], $0x1000  }
0x7c: {  	s31 =	rddreg [dreg:$0x3];
	[sflag:s25] =	ssyncset.done $0x0  }
0x7d: {  	[sflag:s25] =	ssyncadd.s32 $0xFFFFF000;
	s0 =	sadd.s32 $0x0, s31  }
0x7e: {  	[hbm4b:s0+s1] =	stream.linear.scatter [tilespmem:s23], [sflag:$0x3], $0x8000, $0x38;
	[tilespmem:$0x13400] =	vst v63  }
0x7f: {  	s30 =	simm.s32 $0x4000;
	s29 =	simm.s32 $0x800;
	_ =	swait.ge [sflag:s7], $0x8000  }
0x80: {  	s28 =	simm.s32 $0x2000;
	s0 =	rddreg [dreg:$0x5];
	[sflag:s7] =	ssyncset.done $0x0  }
.LBB2_2:
0x81: {  	s11 =	sadd.s32 $0x400, s29;
	[sflag:s7] =	ssyncadd.s32 $0xFFFF8000  }
0x82: {  	[tilespmem:s23], [sflag:$0x2] =	stream.indirect.gather [hbm4b:s3+s8], $0x20, s11, s8, $0xb8;
	[tilespmem:$0x13400] =	vst v63  }
0x83: {  	s31 =	smov.u32 s30;
	s2 =	sadd.s32 $0x2000, s30;
	s11 =	sadd.s32 $0x480, s29  }
0x84: {  	[tilespmem:s0], [sflag:$0x2] =	stream.indirect.gather [hbm4b:s3+s8], $0x20, s11, s8, $0xb8;
	[tilespmem:$0x13400] =	vst v63  }
0x85: {  	p0 =	sne.s32 s30, $0xA000;
	s30 =	rddreg [dreg:$0x6];
	s0 =	sadd.s32 $0x500, s29  }
0x86: {  	[tilespmem:s30], [sflag:$0x2] =	stream.indirect.gather [hbm4b:s3+s8], $0x20, s0, s8, $0xb8;
	[tilespmem:$0x13400] =	vst v63  }
0x87: {  	s11 =	rddreg [dreg:$0x7];
	s0 =	sadd.s32 $0x580, s29  }
0x88: {  	[tilespmem:s11], [sflag:$0x2] =	stream.indirect.gather [hbm4b:s3+s8], $0x20, s0, s8, $0xb8;
	[tilespmem:$0x13400] =	vst v63  }
0x89: {  	s30 =	rddreg [dreg:$0x8];
	s0 =	sadd.s32 $0x600, s29  }
0x8a: {  	[tilespmem:s30], [sflag:$0x2] =	stream.indirect.gather [hbm4b:s3+s8], $0x20, s0, s8, $0xb8;
	[tilespmem:$0x13400] =	vst v63  }
0x8b: {  	s11 =	rddreg [dreg:$0x9];
	s0 =	sadd.s32 $0x680, s29  }
0x8c: {  	[tilespmem:s11], [sflag:$0x2] =	stream.indirect.gather [hbm4b:s3+s8], $0x20, s0, s8, $0xb8;
	[tilespmem:$0x13400] =	vst v63  }
0x8d: {  	s30 =	rddreg [dreg:$0xa];
	s0 =	sadd.s32 $0x700, s29  }
0x8e: {  	[tilespmem:s30], [sflag:$0x2] =	stream.indirect.gather [hbm4b:s3+s8], $0x20, s0, s8, $0xb8;
	[tilespmem:$0x13400] =	vst v63  }
0x8f: {  	s11 =	rddreg [dreg:$0xb];
	s0 =	sadd.s32 $0x780, s29  }
0x90: {  	[tilespmem:s11], [sflag:$0x2] =	stream.indirect.gather [hbm4b:s3+s8], $0x20, s0, s8, $0xb8;
	[tilespmem:$0x13400] =	vst v63  }
0x91: {  	_ =	swait.ge [sflag:s24], $0x1000  }
0x92: {  	[sflag:s24] =	ssyncset.done $0x0  }
0x93: {  	[sflag:s24] =	ssyncadd.s32 $0xFFFFF000  }
0x94: {  	_ =	swait.ge [sflag:s24], $0x1000  }
0x95: {  	[sflag:s24] =	ssyncset.done $0x0  }
0x96: {  	[sflag:s24] =	ssyncadd.s32 $0xFFFFF000  }
0x97: {  	_ =	swait.ge [sflag:s24], $0x1000  }
0x98: {  	[sflag:s24] =	ssyncset.done $0x0  }
0x99: {  	[sflag:s24] =	ssyncadd.s32 $0xFFFFF000  }
0x9a: {  	_ =	swait.ge [sflag:s24], $0x1000  }
0x9b: {  	[sflag:s24] =	ssyncset.done $0x0  }
0x9c: {  	[sflag:s24] =	ssyncadd.s32 $0xFFFFF000  }
0x9d: {  	_ =	swait.ge [sflag:s24], $0x1000  }
0x9e: {  	[sflag:s24] =	ssyncset.done $0x0  }
0x9f: {  	[sflag:s24] =	ssyncadd.s32 $0xFFFFF000  }
0xa0: {  	_ =	swait.ge [sflag:s24], $0x1000  }
0xa1: {  	[sflag:s24] =	ssyncset.done $0x0  }
0xa2: {  	[sflag:s24] =	ssyncadd.s32 $0xFFFFF000  }
0xa3: {  	_ =	swait.ge [sflag:s24], $0x1000  }
0xa4: {  	[sflag:s24] =	ssyncset.done $0x0  }
0xa5: {  	[sflag:s24] =	ssyncadd.s32 $0xFFFFF000  }
0xa6: {  	_ =	swait.ge [sflag:s24], $0x1000  }
0xa7: {  	s11 =	rddreg [dreg:$0x4];
	[sflag:s24] =	ssyncset.done $0x0  }
0xa8: {  	[sflag:s24] =	ssyncadd.s32 $0xFFFFF000;
	s0 =	sadd.s32 s28, s11  }
0xa9: {  	[hbm4b:s0+s1] =	stream.linear.scatter [tilespmem:s9], [sflag:$0x3], $0x8000, $0x38;
	[tilespmem:$0x13400] =	vst v63  }
0xaa: {  	_ =	swait.ge [sflag:s7], $0x8000  }
0xab: {  	[sflag:s7] =	ssyncset.done $0x0  }
0xac: {  	s11 =	sadd.s32 $0x800, s29;
	[sflag:s7] =	ssyncadd.s32 $0xFFFF8000  }
0xad: {  	[tilespmem:s9], [sflag:$0x1] =	stream.indirect.gather [hbm4b:s3+s8], $0x20, s11, s8, $0xb8;
	[tilespmem:$0x13400] =	vst v63  }
0xae: {  	s11 =	sadd.s32 $0x880, s29  }
0xaf: {  	[tilespmem:s10], [sflag:$0x1] =	stream.indirect.gather [hbm4b:s3+s8], $0x20, s11, s8, $0xb8;
	[tilespmem:$0x13400] =	vst v63  }
0xb0: {  	s11 =	sadd.s32 $0x900, s29  }
0xb1: {  	[tilespmem:s12], [sflag:$0x1] =	stream.indirect.gather [hbm4b:s3+s8], $0x20, s11, s8, $0xb8;
	[tilespmem:$0x13400] =	vst v63  }
0xb2: {  	s11 =	sadd.s32 $0x980, s29  }
0xb3: {  	[tilespmem:s14], [sflag:$0x1] =	stream.indirect.gather [hbm4b:s3+s8], $0x20, s11, s8, $0xb8;
	[tilespmem:$0x13400] =	vst v63  }
0xb4: {  	s11 =	sadd.s32 $0xA00, s29  }
0xb5: {  	[tilespmem:s16], [sflag:$0x1] =	stream.indirect.gather [hbm4b:s3+s8], $0x20, s11, s8, $0xb8;
	[tilespmem:$0x13400] =	vst v63  }
0xb6: {  	s11 =	sadd.s32 $0xA80, s29  }
0xb7: {  	[tilespmem:s18], [sflag:$0x1] =	stream.indirect.gather [hbm4b:s3+s8], $0x20, s11, s8, $0xb8;
	[tilespmem:$0x13400] =	vst v63  }
0xb8: {  	s11 =	sadd.s32 $0xB00, s29  }
0xb9: {  	[tilespmem:s20], [sflag:$0x1] =	stream.indirect.gather [hbm4b:s3+s8], $0x20, s11, s8, $0xb8;
	[tilespmem:$0x13400] =	vst v63  }
0xba: {  	s11 =	sadd.s32 $0xB80, s29  }
0xbb: {  	[tilespmem:s22], [sflag:$0x1] =	stream.indirect.gather [hbm4b:s3+s8], $0x20, s11, s8, $0xb8;
	[tilespmem:$0x13400] =	vst v63  }
0xbc: {  	_ =	swait.ge [sflag:s25], $0x1000  }
0xbd: {  	[sflag:s25] =	ssyncset.done $0x0  }
0xbe: {  	[sflag:s25] =	ssyncadd.s32 $0xFFFFF000  }
0xbf: {  	_ =	swait.ge [sflag:s25], $0x1000  }
0xc0: {  	[sflag:s25] =	ssyncset.done $0x0  }
0xc1: {  	[sflag:s25] =	ssyncadd.s32 $0xFFFFF000  }
0xc2: {  	_ =	swait.ge [sflag:s25], $0x1000  }
0xc3: {  	[sflag:s25] =	ssyncset.done $0x0  }
0xc4: {  	[sflag:s25] =	ssyncadd.s32 $0xFFFFF000  }
0xc5: {  	_ =	swait.ge [sflag:s25], $0x1000  }
0xc6: {  	[sflag:s25] =	ssyncset.done $0x0  }
0xc7: {  	[sflag:s25] =	ssyncadd.s32 $0xFFFFF000  }
0xc8: {  	_ =	swait.ge [sflag:s25], $0x1000  }
0xc9: {  	[sflag:s25] =	ssyncset.done $0x0  }
0xca: {  	[sflag:s25] =	ssyncadd.s32 $0xFFFFF000  }
0xcb: {  	_ =	swait.ge [sflag:s25], $0x1000  }
0xcc: {  	[sflag:s25] =	ssyncset.done $0x0  }
0xcd: {  	[sflag:s25] =	ssyncadd.s32 $0xFFFFF000  }
0xce: {  	_ =	swait.ge [sflag:s25], $0x1000  }
0xcf: {  	[sflag:s25] =	ssyncset.done $0x0  }
0xd0: {  	[sflag:s25] =	ssyncadd.s32 $0xFFFFF000  }
0xd1: {  	_ =	swait.ge [sflag:s25], $0x1000  }
.Ltmp0:
0xd2: {  	s11 =	rddreg [dreg:$0x3];
	[sflag:s25] =	ssyncset.done $0x0;
	(pc) =	sbr.rel @p0 .LBB2_2-.Ltmp0, $4  }
0xd3: {  	[sflag:s25] =	ssyncadd.s32 $0xFFFFF000;
	s0 =	sadd.s32 s28, s11  }
0xd4: {  	[hbm4b:s0+s1] =	stream.linear.scatter [tilespmem:s23], [sflag:$0x3], $0x8000, $0x38;
	[tilespmem:$0x13400] =	vst v63  }
0xd5: {  	s30 =	smov.u32 s2;
	s28 =	smov.u32 s31;
	_ =	swait.ge [sflag:s7], $0x8000  }
0xd6: {  	s29 =	sshra.s32 s28, $0x2;
	s0 =	rddreg [dreg:$0x5];
	[sflag:s7] =	ssyncset.done $0x0  }
0xd7: {  	s2 =	sadd.s32 $0x400, s29;
	[sflag:s7] =	ssyncadd.s32 $0xFFFF8000  }
0xd8: {  	[tilespmem:s23], [sflag:$0x2] =	stream.indirect.gather [hbm4b:s3+s8], $0x20, s2, s8, $0xb8;
	[tilespmem:$0x13400] =	vst v63  }
0xd9: {  	s30 =	sadd.s32 $0x480, s29  }
0xda: {  	[tilespmem:s0], [sflag:$0x2] =	stream.indirect.gather [hbm4b:s3+s8], $0x20, s30, s8, $0xb8;
	[tilespmem:$0x13400] =	vst v63  }
0xdb: {  	s11 =	rddreg [dreg:$0x6];
	s31 =	sadd.s32 $0x500, s29  }
0xdc: {  	[tilespmem:s11], [sflag:$0x2] =	stream.indirect.gather [hbm4b:s3+s8], $0x20, s31, s8, $0xb8;
	[tilespmem:$0x13400] =	vst v63  }
0xdd: {  	s2 =	rddreg [dreg:$0x7];
	s30 =	sadd.s32 $0x580, s29  }
0xde: {  	[tilespmem:s2], [sflag:$0x2] =	stream.indirect.gather [hbm4b:s3+s8], $0x20, s30, s8, $0xb8;
	[tilespmem:$0x13400] =	vst v63  }
0xdf: {  	s31 =	rddreg [dreg:$0x8];
	s2 =	sadd.s32 $0x600, s29  }
0xe0: {  	[tilespmem:s31], [sflag:$0x2] =	stream.indirect.gather [hbm4b:s3+s8], $0x20, s2, s8, $0xb8;
	[tilespmem:$0x13400] =	vst v63  }
0xe1: {  	s30 =	rddreg [dreg:$0x9];
	s31 =	sadd.s32 $0x680, s29  }
0xe2: {  	[tilespmem:s30], [sflag:$0x2] =	stream.indirect.gather [hbm4b:s3+s8], $0x20, s31, s8, $0xb8;
	[tilespmem:$0x13400] =	vst v63  }
0xe3: {  	s11 =	rddreg [dreg:$0xa];
	s30 =	sadd.s32 $0x700, s29  }
0xe4: {  	[tilespmem:s11], [sflag:$0x2] =	stream.indirect.gather [hbm4b:s3+s8], $0x20, s30, s8, $0xb8;
	[tilespmem:$0x13400] =	vst v63  }
0xe5: {  	s31 =	rddreg [dreg:$0xb];
	s11 =	sadd.s32 $0x780, s29  }
0xe6: {  	[tilespmem:s31], [sflag:$0x2] =	stream.indirect.gather [hbm4b:s3+s8], $0x20, s11, s8, $0xb8;
	[tilespmem:$0x13400] =	vst v63  }
0xe7: {  	_ =	swait.ge [sflag:s24], $0x1000  }
0xe8: {  	[sflag:s24] =	ssyncset.done $0x0  }
0xe9: {  	[sflag:s24] =	ssyncadd.s32 $0xFFFFF000  }
0xea: {  	_ =	swait.ge [sflag:s24], $0x1000  }
0xeb: {  	[sflag:s24] =	ssyncset.done $0x0  }
0xec: {  	[sflag:s24] =	ssyncadd.s32 $0xFFFFF000  }
0xed: {  	_ =	swait.ge [sflag:s24], $0x1000  }
0xee: {  	[sflag:s24] =	ssyncset.done $0x0  }
0xef: {  	[sflag:s24] =	ssyncadd.s32 $0xFFFFF000  }
0xf0: {  	_ =	swait.ge [sflag:s24], $0x1000  }
0xf1: {  	[sflag:s24] =	ssyncset.done $0x0  }
0xf2: {  	[sflag:s24] =	ssyncadd.s32 $0xFFFFF000  }
0xf3: {  	_ =	swait.ge [sflag:s24], $0x1000  }
0xf4: {  	[sflag:s24] =	ssyncset.done $0x0  }
0xf5: {  	[sflag:s24] =	ssyncadd.s32 $0xFFFFF000  }
0xf6: {  	_ =	swait.ge [sflag:s24], $0x1000  }
0xf7: {  	[sflag:s24] =	ssyncset.done $0x0  }
0xf8: {  	[sflag:s24] =	ssyncadd.s32 $0xFFFFF000  }
0xf9: {  	_ =	swait.ge [sflag:s24], $0x1000  }
0xfa: {  	[sflag:s24] =	ssyncset.done $0x0  }
0xfb: {  	[sflag:s24] =	ssyncadd.s32 $0xFFFFF000  }
0xfc: {  	_ =	swait.ge [sflag:s24], $0x1000  }
0xfd: {  	s30 =	rddreg [dreg:$0x4];
	[sflag:s24] =	ssyncset.done $0x0  }
0xfe: {  	[sflag:s24] =	ssyncadd.s32 $0xFFFFF000;
	s0 =	sadd.s32 s28, s30  }
0xff: {  	[hbm4b:s0+s1] =	stream.linear.scatter [tilespmem:s9], [sflag:$0x3], $0x8000, $0x38;
	[tilespmem:$0x13400] =	vst v63  }
0x100: {  	_ =	swait.ge [sflag:s7], $0x8000  }
0x101: {  	[sflag:s7] =	ssyncset.done $0x0  }
0x102: {  	s31 =	sadd.s32 $0x800, s29;
	[sflag:s7] =	ssyncadd.s32 $0xFFFF8000  }
0x103: {  	[tilespmem:s9], [sflag:$0x1] =	stream.indirect.gather [hbm4b:s3+s8], $0x20, s31, s8, $0xb8;
	[tilespmem:$0x13400] =	vst v63  }
0x104: {  	s2 =	sadd.s32 $0x880, s29  }
0x105: {  	[tilespmem:s10], [sflag:$0x1] =	stream.indirect.gather [hbm4b:s3+s8], $0x20, s2, s8, $0xb8;
	[tilespmem:$0x13400] =	vst v63  }
0x106: {  	s11 =	sadd.s32 $0x900, s29  }
0x107: {  	[tilespmem:s12], [sflag:$0x1] =	stream.indirect.gather [hbm4b:s3+s8], $0x20, s11, s8, $0xb8;
	[tilespmem:$0x13400] =	vst v63  }
0x108: {  	s30 =	sadd.s32 $0x980, s29  }
0x109: {  	[tilespmem:s14], [sflag:$0x1] =	stream.indirect.gather [hbm4b:s3+s8], $0x20, s30, s8, $0xb8;
	[tilespmem:$0x13400] =	vst v63  }
0x10a: {  	s31 =	sadd.s32 $0xA00, s29  }
0x10b: {  	[tilespmem:s16], [sflag:$0x1] =	stream.indirect.gather [hbm4b:s3+s8], $0x20, s31, s8, $0xb8;
	[tilespmem:$0x13400] =	vst v63  }
0x10c: {  	s2 =	sadd.s32 $0xA80, s29  }
0x10d: {  	[tilespmem:s18], [sflag:$0x1] =	stream.indirect.gather [hbm4b:s3+s8], $0x20, s2, s8, $0xb8;
	[tilespmem:$0x13400] =	vst v63  }
0x10e: {  	s11 =	sadd.s32 $0xB00, s29  }
0x10f: {  	[tilespmem:s20], [sflag:$0x1] =	stream.indirect.gather [hbm4b:s3+s8], $0x20, s11, s8, $0xb8;
	[tilespmem:$0x13400] =	vst v63  }
0x110: {  	s30 =	sadd.s32 $0xB80, s29  }
0x111: {  	[tilespmem:s22], [sflag:$0x1] =	stream.indirect.gather [hbm4b:s3+s8], $0x20, s30, s8, $0xb8;
	[tilespmem:$0x13400] =	vst v63  }
0x112: {  	_ =	swait.ge [sflag:s25], $0x1000  }
0x113: {  	[sflag:s25] =	ssyncset.done $0x0  }
0x114: {  	[sflag:s25] =	ssyncadd.s32 $0xFFFFF000  }
0x115: {  	_ =	swait.ge [sflag:s25], $0x1000  }
0x116: {  	[sflag:s25] =	ssyncset.done $0x0  }
0x117: {  	[sflag:s25] =	ssyncadd.s32 $0xFFFFF000  }
0x118: {  	_ =	swait.ge [sflag:s25], $0x1000  }
0x119: {  	[sflag:s25] =	ssyncset.done $0x0  }
0x11a: {  	[sflag:s25] =	ssyncadd.s32 $0xFFFFF000  }
0x11b: {  	_ =	swait.ge [sflag:s25], $0x1000  }
0x11c: {  	[sflag:s25] =	ssyncset.done $0x0  }
0x11d: {  	[sflag:s25] =	ssyncadd.s32 $0xFFFFF000  }
0x11e: {  	_ =	swait.ge [sflag:s25], $0x1000  }
0x11f: {  	[sflag:s25] =	ssyncset.done $0x0  }
0x120: {  	[sflag:s25] =	ssyncadd.s32 $0xFFFFF000  }
0x121: {  	_ =	swait.ge [sflag:s25], $0x1000  }
0x122: {  	[sflag:s25] =	ssyncset.done $0x0  }
0x123: {  	[sflag:s25] =	ssyncadd.s32 $0xFFFFF000  }
0x124: {  	_ =	swait.ge [sflag:s25], $0x1000  }
0x125: {  	[sflag:s25] =	ssyncset.done $0x0  }
0x126: {  	[sflag:s25] =	ssyncadd.s32 $0xFFFFF000  }
0x127: {  	_ =	swait.ge [sflag:s25], $0x1000  }
0x128: {  	s31 =	rddreg [dreg:$0x3];
	[sflag:s25] =	ssyncset.done $0x0  }
0x129: {  	[sflag:s25] =	ssyncadd.s32 $0xFFFFF000;
	s0 =	sadd.s32 s28, s31  }
0x12a: {  	[hbm4b:s0+s1] =	stream.linear.scatter [tilespmem:s23], [sflag:$0x3], $0x8000, $0x38;
	[tilespmem:$0x13400] =	vst v63  }
0x12b: {  	_ =	swait.ge [sflag:s7], $0x8000  }
0x12c: {  	[sflag:s7] =	ssyncset.done $0x0  }
0x12d: {  	[sflag:s7] =	ssyncadd.s32 $0xFFFF8000  }
0x12e: {  	_ =	swait.ge [sflag:s24], $0x1000  }
0x12f: {  	[sflag:s24] =	ssyncset.done $0x0  }
0x130: {  	[sflag:s24] =	ssyncadd.s32 $0xFFFFF000  }
0x131: {  	_ =	swait.ge [sflag:s24], $0x1000  }
0x132: {  	[sflag:s24] =	ssyncset.done $0x0  }
0x133: {  	[sflag:s24] =	ssyncadd.s32 $0xFFFFF000  }
0x134: {  	_ =	swait.ge [sflag:s24], $0x1000  }
0x135: {  	[sflag:s24] =	ssyncset.done $0x0  }
0x136: {  	[sflag:s24] =	ssyncadd.s32 $0xFFFFF000  }
0x137: {  	_ =	swait.ge [sflag:s24], $0x1000  }
0x138: {  	[sflag:s24] =	ssyncset.done $0x0  }
0x139: {  	[sflag:s24] =	ssyncadd.s32 $0xFFFFF000  }
0x13a: {  	_ =	swait.ge [sflag:s24], $0x1000  }
0x13b: {  	[sflag:s24] =	ssyncset.done $0x0  }
0x13c: {  	[sflag:s24] =	ssyncadd.s32 $0xFFFFF000  }
0x13d: {  	_ =	swait.ge [sflag:s24], $0x1000  }
0x13e: {  	[sflag:s24] =	ssyncset.done $0x0  }
0x13f: {  	[sflag:s24] =	ssyncadd.s32 $0xFFFFF000  }
0x140: {  	_ =	swait.ge [sflag:s24], $0x1000  }
0x141: {  	[sflag:s24] =	ssyncset.done $0x0  }
0x142: {  	[sflag:s24] =	ssyncadd.s32 $0xFFFFF000  }
0x143: {  	s26 =	sadd.s32 $0x1, s26;
	_ =	swait.ge [sflag:s24], $0x1000  }
0x144: {  	p0 =	sne.s32 s26, s6;
	[sflag:s24] =	ssyncset.done $0x0  }
.Ltmp1:
0x145: {  	[sflag:s24] =	ssyncadd.s32 $0xFFFFF000;
	(pc) =	sbr.rel @p0 .LBB2_1-.Ltmp1, $4  }
0x146: {  	[hbm4b:s5+s1] =	stream.linear.scatter [tilespmem:s9], [sflag:$0x3], $0x8000, $0x38;
	[tilespmem:$0x13400] =	vst v63  }
0x147: {  	_ =	swait.ge [sflag:s7], $0x8000  }
0x148: {  	[sflag:s7] =	ssyncset.done $0x0  }
0x149: {  	[sflag:s7] =	ssyncadd.s32 $0xFFFF8000  }
0x14a: {  	_ =	sfence.sel $0x180000  }
0x14b: {  	[bflag:$0x0] =	sbarrier.arrive $0xFFFF  }
0x14c: {  	_ =	strace $0x90000047  }
0x14d: {  	s0 =	stileid.u32;
	[bflag:$0x2] =	sbarrier.arrive $0xFFFF  }
0x14e: {  	p0 =	sne.s32 s0, $0x0;
	s0 =	rddreg [dreg:$0x2]  }
0x14f: {  	s0 =	sadd.s32 @!p0 $0x100000, s0  }
0x150: {  	[sflag:s0] =	ssyncadd.tile.s32 @!p0 $0x1;
	_ =	shalt  }
.Lfunc_end2:
_tile_overlayer_lowered:
.L_overlay_start_2:
0x151: {  	(tag) =	ssettag $0x2  }
0x152: {  	s0 =	rddreg [dreg:$0x0];
	s2 =	stileid.u32  }
0x153: {  	s1 =	rddreg [dreg:$0x1];
	p0 =	sne.s32 s2, $0x0  }
0x154: {  	s3 =	rddreg [dreg:$0x2];
	[bflag:$0x3] =	sbarrier.arrive $0xFFFF;
	s2 =	simm.s32 @!p0 $0x1C03  }
0x155: {  	[timem:s3], [sflag:s2] =	dma.local @!p0 [hbm:s0], s1  }
0x156: {  	s0 =	simm.s32 @!p0 $0x3  }
0x157: {  	_ =	swait.ge @!p0 [sflag:s0], s1  }
0x158: {  	s1 =	ssub.s32 @!p0 $0x0, s1;
	[sflag:s0] =	ssyncset.done @!p0 $0x0  }
0x159: {  	[sflag:s0] =	ssyncadd.s32 @!p0 s1  }
0x15a: {  	[bflag:$0x3] =	sbarrier.arrive $0xFFFF  }
0x15b: {  	_ =	shalt  }

</sc_bundles>
